<compile_context>
chip_gen: v7x
topology: tpu7x:2x2x1
jax: 0.10.2.dev20260603
libtpu: 0.0.44.dev20260713+nightly
codegen_flags: <defaults>
</compile_context>

<pallas_src>
import functools

import jax
import jax.numpy as jnp
from jax.experimental import pallas as pl
from jax.experimental.pallas import tpu as pltpu
from jax.experimental.pallas import tpu_sc as plsc

_TOPK = 2
_FB = 512
_LANES = 16


def _logits_kernel(x_ref, g_ref, o_ref):
    lg = jnp.dot(x_ref[...], g_ref[...], preferred_element_type=jnp.float32)
    o_ref[...] = lg.T


def _router_sc(logits_t):
    E, T = logits_t.shape
    n_chunks = T // _LANES
    mesh = plsc.VectorSubcoreMesh(core_axis_name="c", subcore_axis_name="s")

    @functools.partial(
        pl.kernel,
        out_type=jax.ShapeDtypeStruct((E, T), jnp.float32),
        mesh=mesh,
        scratch_types=[
            pltpu.VMEM((E, _LANES), jnp.float32),
            pltpu.VMEM((E, _LANES), jnp.float32),
        ],
    )
    def k(lg_hbm, cw_hbm, lg_v, out_v):
        wid = jax.lax.axis_index("s") * 2 + jax.lax.axis_index("c")

        @pl.when(wid < n_chunks)
        def _():
            base = wid * _LANES
            for r in range(E):
                pltpu.sync_copy(lg_hbm.at[r, pl.ds(base, _LANES)], lg_v.at[r])
            m1 = lg_v[0]
            i1 = jnp.zeros((_LANES,), jnp.int32)
            m2 = jnp.full((_LANES,), -jnp.inf, jnp.float32)
            i2 = jnp.zeros((_LANES,), jnp.int32)
            for r in range(1, E):
                v = lg_v[r]
                rr = jnp.full((_LANES,), r, jnp.int32)
                new1 = v > m1
                new2 = v > m2
                m2 = jnp.where(new1, m1, jnp.where(new2, v, m2))
                i2 = jnp.where(new1, i1, jnp.where(new2, rr, i2))
                m1 = jnp.where(new1, v, m1)
                i1 = jnp.where(new1, rr, i1)
            w_hi = 1.0 / (1.0 + jnp.exp(m2 - m1))
            w_lo = 1.0 - w_hi
            zero = jnp.zeros((_LANES,), jnp.float32)
            for r in range(E):
                rr = jnp.full((_LANES,), r, jnp.int32)
                out_v[r] = (jnp.where(i1 == rr, w_hi, zero)
                            + jnp.where(i2 == rr, w_lo, zero))
            for r in range(E):
                pltpu.sync_copy(out_v.at[r], cw_hbm.at[r, pl.ds(base, _LANES)])

    return k(logits_t)


def _moe_kernel(x_ref, cwt_ref, w1_ref, w2_ref, o_ref, cw_ref):
    e = pl.program_id(0)
    f = pl.program_id(1)

    @pl.when((e == 0) & (f == 0))
    def _init():
        cw_ref[...] = cwt_ref[...].T
        o_ref[...] = jnp.zeros_like(o_ref)

    cw = cw_ref[...]
    lane = jax.lax.broadcasted_iota(jnp.int32, cw.shape, 1)
    scale = jnp.sum(jnp.where(lane == e, cw, 0.0), axis=-1, keepdims=True)

    x = x_ref[...].astype(jnp.bfloat16)
    h = jnp.dot(x, w1_ref[0].astype(jnp.bfloat16),
                preferred_element_type=jnp.float32)
    h = h * jax.nn.sigmoid(h)
    h = h * scale
    o_ref[...] += jnp.dot(h.astype(jnp.bfloat16),
                          w2_ref[0].astype(jnp.bfloat16),
                          preferred_element_type=jnp.float32)


@jax.jit
def kernel(hidden_states, gate_w, w1, w2):
    T, D = hidden_states.shape
    E = gate_w.shape[1]
    F = w1.shape[2]
    nf = F // _FB

    logits_t = pl.pallas_call(
        _logits_kernel,
        out_shape=jax.ShapeDtypeStruct((E, T), jnp.float32),
    )(hidden_states, gate_w)

    cwt = _router_sc(logits_t)

    return pl.pallas_call(
        _moe_kernel,
        grid=(E, nf),
        in_specs=[
            pl.BlockSpec((T, D), lambda e, f: (0, 0)),
            pl.BlockSpec((E, T), lambda e, f: (0, 0)),
            pl.BlockSpec((1, D, _FB), lambda e, f: (e, 0, f)),
            pl.BlockSpec((1, _FB, D), lambda e, f: (e, f, 0)),
        ],
        out_specs=pl.BlockSpec((T, D), lambda e, f: (0, 0)),
        out_shape=jax.ShapeDtypeStruct((T, D), jnp.float32),
        scratch_shapes=[pltpu.VMEM((T, E), jnp.float32)],
        compiler_params=pltpu.CompilerParams(
            dimension_semantics=("arbitrary", "arbitrary"),
        ),
    )(hidden_states, cwt, w1, w2)

# --- scband reference (transcript-rebuilt; emitter-appended) ---
"""Pipeline reference for scband-mixtral-for-causal-lm-50835232916128 (READ-ONLY COPY).

The authoritative reference and input builder live on the scoring server;
editing this copy changes nothing except your own understanding.
"""

import jax, jax.numpy as jnp
import numpy as np

TOP_K = 2

def setup_inputs(seed: int = 0) -> dict:
    key = jax.random.key(seed)
    k1, k2, k3, k4 = jax.random.split(key, 4)
    T, D, F, E = 128, 2048, 4096, 8
    hidden_states = jax.random.normal(k1, (T, D), dtype=jnp.float32)
    gate_w = jax.random.normal(k2, (D, E), dtype=jnp.float32) * 0.02
    w1 = jax.random.normal(k3, (E, D, F), dtype=jnp.float32) * 0.02
    w2 = jax.random.normal(k4, (E, F, D), dtype=jnp.float32) * 0.02
    return {"hidden_states": hidden_states, "gate_w": gate_w, "w1": w1, "w2": w2}

def reference(hidden_states, gate_w, w1, w2):
    # Router: logits -> softmax -> top-k -> renormalize (Mixtral fused_moe semantics)
    router_logits = hidden_states @ gate_w
    probs = jax.nn.softmax(router_logits, axis=-1)
    topk_vals, topk_idx = jax.lax.top_k(probs, TOP_K)
    topk_vals = topk_vals / jnp.sum(topk_vals, axis=-1, keepdims=True)
    T = hidden_states.shape[0]
    E = gate_w.shape[1]
    # scatter the top-k routing weights into a dense [T, E] combine matrix
    w_mask = jnp.zeros((T, E), dtype=hidden_states.dtype).at[jnp.arange(T)[:, None], topk_idx].add(topk_vals)
    # expert MLPs computed densely, combined with routing weights
    h = jnp.einsum('td,edf->etf', hidden_states, w1)
    h = jax.nn.silu(h)
    expert_out = jnp.einsum('etf,efd->etd', h, w2)
    out = jnp.einsum('te,etd->td', w_mask, expert_out)
    return out

if __name__ == "__main__":
    import jax
    _d = setup_inputs()
    print(jax.jit(kernel)(*tuple(_d.values())))

</pallas_src>

<mosaic_0001>
#map = affine_map<(d0, d1) -> (0, 0)>
module attributes {stable_mosaic.version = 14 : i64} {
  func.func @k(%arg0: i32, %arg1: i32, %arg2: memref<8x128xf32, #tpu.memory_space<hbm>>, %arg3: memref<8x128xf32, #tpu.memory_space<hbm>>, %arg4: memref<8x16xf32, #tpu.memory_space<vmem>>, %arg5: memref<8x16xf32, #tpu.memory_space<vmem>>) attributes {dimension_semantics = [#tpu.dimension_semantics<core_parallel>, #tpu.dimension_semantics<subcore_parallel>], iteration_bounds = array<i64: 2, 16>, scalar_prefetch = 0 : i64, scratch_operands = 2 : i64, tpu.core_type = #tpu.core_type<sc_vector_subcore>, window_params = [{transform_indices = #map}, {transform_indices = #map}]} {
    %mul3A = arith.constant 2 : i32
    %mul3A_0 = arith.muli %arg1, %mul3A : i32
    %add3A = arith.addi %mul3A_0, %arg0 : i32
    %lt3A = arith.constant 8 : i32
    %lt3A_1 = arith.cmpi slt, %add3A, %lt3A : i32
    %convert_element_type3A = arith.extui %lt3A_1 : i1 to i32
    %cond3A = arith.constant 0 : i32
    %cond3A_2 = arith.cmpi ne, %convert_element_type3A, %cond3A : i32
    scf.if %cond3A_2 {
      %mul3A_3 = arith.constant 16 : i32
      %mul3A_4 = arith.muli %add3A, %mul3A_3 : i32
      %run_scoped3A = arith.constant 0 : i32
      %run_scoped3A_5 = arith.constant 0 : i32
      "tpu.region"() ({
        %run_scoped3A_260 = tpu.sem_alloc : memref<!tpu.dma_semaphore, #tpu.memory_space<semaphore_mem>>
        %dma_start3A = arith.constant 0 : i32
        %dma_start3A_261 = tpu.memref_slice %arg4[%run_scoped3A_5, %dma_start3A] : memref<8x16xf32, #tpu.memory_space<vmem>> -> memref<1x16xf32, #tpu.memory_space<vmem>>
        %dma_start3A_262 = tpu.memref_squeeze %dma_start3A_261 : memref<1x16xf32, #tpu.memory_space<vmem>> -> memref<16xf32, #tpu.memory_space<vmem>>
        %dma_start3A_263 = tpu.memref_slice %arg2[%run_scoped3A, %mul3A_4] : memref<8x128xf32, #tpu.memory_space<hbm>> -> memref<1x16xf32, #tpu.memory_space<hbm>>
        %dma_start3A_264 = tpu.memref_squeeze %dma_start3A_263 : memref<1x16xf32, #tpu.memory_space<hbm>> -> memref<16xf32, #tpu.memory_space<hbm>>
        %dma_start3A_265 = arith.constant 0 : i32
        %dma_start3A_266 = tpu.memref_slice %arg4[%run_scoped3A_5, %dma_start3A_265] : memref<8x16xf32, #tpu.memory_space<vmem>> -> memref<1x16xf32, #tpu.memory_space<vmem>>
        %dma_start3A_267 = tpu.memref_squeeze %dma_start3A_266 : memref<1x16xf32, #tpu.memory_space<vmem>> -> memref<16xf32, #tpu.memory_space<vmem>>
        %dma_start3A_268 = tpu.memref_slice %arg2[%run_scoped3A, %mul3A_4] : memref<8x128xf32, #tpu.memory_space<hbm>> -> memref<1x16xf32, #tpu.memory_space<hbm>>
        %dma_start3A_269 = tpu.memref_squeeze %dma_start3A_268 : memref<1x16xf32, #tpu.memory_space<hbm>> -> memref<16xf32, #tpu.memory_space<hbm>>
        tpu.enqueue_dma source(%dma_start3A_269 : memref<16xf32, #tpu.memory_space<hbm>>) target(%dma_start3A_267 : memref<16xf32, #tpu.memory_space<vmem>>) target_semaphore(%run_scoped3A_260 : memref<!tpu.dma_semaphore, #tpu.memory_space<semaphore_mem>>)
        %dma_wait3A = arith.constant 0 : i32
        %dma_wait3A_270 = tpu.memref_slice %arg4[%run_scoped3A_5, %dma_wait3A] : memref<8x16xf32, #tpu.memory_space<vmem>> -> memref<1x16xf32, #tpu.memory_space<vmem>>
        %dma_wait3A_271 = tpu.memref_squeeze %dma_wait3A_270 : memref<1x16xf32, #tpu.memory_space<vmem>> -> memref<16xf32, #tpu.memory_space<vmem>>
        %dma_wait3A_272 = tpu.memref_slice %arg2[%run_scoped3A, %mul3A_4] : memref<8x128xf32, #tpu.memory_space<hbm>> -> memref<1x16xf32, #tpu.memory_space<hbm>>
        %dma_wait3A_273 = tpu.memref_squeeze %dma_wait3A_272 : memref<1x16xf32, #tpu.memory_space<hbm>> -> memref<16xf32, #tpu.memory_space<hbm>>
        %dma_wait3A_274 = arith.constant 0 : i32
        %dma_wait3A_275 = tpu.memref_slice %arg4[%run_scoped3A_5, %dma_wait3A_274] : memref<8x16xf32, #tpu.memory_space<vmem>> -> memref<1x16xf32, #tpu.memory_space<vmem>>
        %dma_wait3A_276 = tpu.memref_squeeze %dma_wait3A_275 : memref<1x16xf32, #tpu.memory_space<vmem>> -> memref<16xf32, #tpu.memory_space<vmem>>
        %dma_wait3A_277 = tpu.memref_slice %arg2[%run_scoped3A, %mul3A_4] : memref<8x128xf32, #tpu.memory_space<hbm>> -> memref<1x16xf32, #tpu.memory_space<hbm>>
        %dma_wait3A_278 = tpu.memref_squeeze %dma_wait3A_277 : memref<1x16xf32, #tpu.memory_space<hbm>> -> memref<16xf32, #tpu.memory_space<hbm>>
        tpu.wait_dma2 semaphore(%run_scoped3A_260 : memref<!tpu.dma_semaphore, #tpu.memory_space<semaphore_mem>>) src(%dma_wait3A_278 : memref<16xf32, #tpu.memory_space<hbm>>) dst(%dma_wait3A_276 : memref<16xf32, #tpu.memory_space<vmem>>)
        tpu.yield
      }) : () -> ()
      %run_scoped3A_6 = arith.constant 1 : i32
      %run_scoped3A_7 = arith.constant 1 : i32
      "tpu.region"() ({
        %run_scoped3A_260 = tpu.sem_alloc : memref<!tpu.dma_semaphore, #tpu.memory_space<semaphore_mem>>
        %dma_start3A = arith.constant 0 : i32
        %dma_start3A_261 = tpu.memref_slice %arg4[%run_scoped3A_7, %dma_start3A] : memref<8x16xf32, #tpu.memory_space<vmem>> -> memref<1x16xf32, #tpu.memory_space<vmem>>
        %dma_start3A_262 = tpu.memref_squeeze %dma_start3A_261 : memref<1x16xf32, #tpu.memory_space<vmem>> -> memref<16xf32, #tpu.memory_space<vmem>>
        %dma_start3A_263 = tpu.memref_slice %arg2[%run_scoped3A_6, %mul3A_4] : memref<8x128xf32, #tpu.memory_space<hbm>> -> memref<1x16xf32, #tpu.memory_space<hbm>>
        %dma_start3A_264 = tpu.memref_squeeze %dma_start3A_263 : memref<1x16xf32, #tpu.memory_space<hbm>> -> memref<16xf32, #tpu.memory_space<hbm>>
        %dma_start3A_265 = arith.constant 0 : i32
        %dma_start3A_266 = tpu.memref_slice %arg4[%run_scoped3A_7, %dma_start3A_265] : memref<8x16xf32, #tpu.memory_space<vmem>> -> memref<1x16xf32, #tpu.memory_space<vmem>>
        %dma_start3A_267 = tpu.memref_squeeze %dma_start3A_266 : memref<1x16xf32, #tpu.memory_space<vmem>> -> memref<16xf32, #tpu.memory_space<vmem>>
        %dma_start3A_268 = tpu.memref_slice %arg2[%run_scoped3A_6, %mul3A_4] : memref<8x128xf32, #tpu.memory_space<hbm>> -> memref<1x16xf32, #tpu.memory_space<hbm>>
        %dma_start3A_269 = tpu.memref_squeeze %dma_start3A_268 : memref<1x16xf32, #tpu.memory_space<hbm>> -> memref<16xf32, #tpu.memory_space<hbm>>
        tpu.enqueue_dma source(%dma_start3A_269 : memref<16xf32, #tpu.memory_space<hbm>>) target(%dma_start3A_267 : memref<16xf32, #tpu.memory_space<vmem>>) target_semaphore(%run_scoped3A_260 : memref<!tpu.dma_semaphore, #tpu.memory_space<semaphore_mem>>)
        %dma_wait3A = arith.constant 0 : i32
        %dma_wait3A_270 = tpu.memref_slice %arg4[%run_scoped3A_7, %dma_wait3A] : memref<8x16xf32, #tpu.memory_space<vmem>> -> memref<1x16xf32, #tpu.memory_space<vmem>>
        %dma_wait3A_271 = tpu.memref_squeeze %dma_wait3A_270 : memref<1x16xf32, #tpu.memory_space<vmem>> -> memref<16xf32, #tpu.memory_space<vmem>>
        %dma_wait3A_272 = tpu.memref_slice %arg2[%run_scoped3A_6, %mul3A_4] : memref<8x128xf32, #tpu.memory_space<hbm>> -> memref<1x16xf32, #tpu.memory_space<hbm>>
        %dma_wait3A_273 = tpu.memref_squeeze %dma_wait3A_272 : memref<1x16xf32, #tpu.memory_space<hbm>> -> memref<16xf32, #tpu.memory_space<hbm>>
        %dma_wait3A_274 = arith.constant 0 : i32
        %dma_wait3A_275 = tpu.memref_slice %arg4[%run_scoped3A_7, %dma_wait3A_274] : memref<8x16xf32, #tpu.memory_space<vmem>> -> memref<1x16xf32, #tpu.memory_space<vmem>>
        %dma_wait3A_276 = tpu.memref_squeeze %dma_wait3A_275 : memref<1x16xf32, #tpu.memory_space<vmem>> -> memref<16xf32, #tpu.memory_space<vmem>>
        %dma_wait3A_277 = tpu.memref_slice %arg2[%run_scoped3A_6, %mul3A_4] : memref<8x128xf32, #tpu.memory_space<hbm>> -> memref<1x16xf32, #tpu.memory_space<hbm>>
        %dma_wait3A_278 = tpu.memref_squeeze %dma_wait3A_277 : memref<1x16xf32, #tpu.memory_space<hbm>> -> memref<16xf32, #tpu.memory_space<hbm>>
        tpu.wait_dma2 semaphore(%run_scoped3A_260 : memref<!tpu.dma_semaphore, #tpu.memory_space<semaphore_mem>>) src(%dma_wait3A_278 : memref<16xf32, #tpu.memory_space<hbm>>) dst(%dma_wait3A_276 : memref<16xf32, #tpu.memory_space<vmem>>)
        tpu.yield
      }) : () -> ()
      %run_scoped3A_8 = arith.constant 2 : i32
      %run_scoped3A_9 = arith.constant 2 : i32
      "tpu.region"() ({
        %run_scoped3A_260 = tpu.sem_alloc : memref<!tpu.dma_semaphore, #tpu.memory_space<semaphore_mem>>
        %dma_start3A = arith.constant 0 : i32
        %dma_start3A_261 = tpu.memref_slice %arg4[%run_scoped3A_9, %dma_start3A] : memref<8x16xf32, #tpu.memory_space<vmem>> -> memref<1x16xf32, #tpu.memory_space<vmem>>
        %dma_start3A_262 = tpu.memref_squeeze %dma_start3A_261 : memref<1x16xf32, #tpu.memory_space<vmem>> -> memref<16xf32, #tpu.memory_space<vmem>>
        %dma_start3A_263 = tpu.memref_slice %arg2[%run_scoped3A_8, %mul3A_4] : memref<8x128xf32, #tpu.memory_space<hbm>> -> memref<1x16xf32, #tpu.memory_space<hbm>>
        %dma_start3A_264 = tpu.memref_squeeze %dma_start3A_263 : memref<1x16xf32, #tpu.memory_space<hbm>> -> memref<16xf32, #tpu.memory_space<hbm>>
        %dma_start3A_265 = arith.constant 0 : i32
        %dma_start3A_266 = tpu.memref_slice %arg4[%run_scoped3A_9, %dma_start3A_265] : memref<8x16xf32, #tpu.memory_space<vmem>> -> memref<1x16xf32, #tpu.memory_space<vmem>>
        %dma_start3A_267 = tpu.memref_squeeze %dma_start3A_266 : memref<1x16xf32, #tpu.memory_space<vmem>> -> memref<16xf32, #tpu.memory_space<vmem>>
        %dma_start3A_268 = tpu.memref_slice %arg2[%run_scoped3A_8, %mul3A_4] : memref<8x128xf32, #tpu.memory_space<hbm>> -> memref<1x16xf32, #tpu.memory_space<hbm>>
        %dma_start3A_269 = tpu.memref_squeeze %dma_start3A_268 : memref<1x16xf32, #tpu.memory_space<hbm>> -> memref<16xf32, #tpu.memory_space<hbm>>
        tpu.enqueue_dma source(%dma_start3A_269 : memref<16xf32, #tpu.memory_space<hbm>>) target(%dma_start3A_267 : memref<16xf32, #tpu.memory_space<vmem>>) target_semaphore(%run_scoped3A_260 : memref<!tpu.dma_semaphore, #tpu.memory_space<semaphore_mem>>)
        %dma_wait3A = arith.constant 0 : i32
        %dma_wait3A_270 = tpu.memref_slice %arg4[%run_scoped3A_9, %dma_wait3A] : memref<8x16xf32, #tpu.memory_space<vmem>> -> memref<1x16xf32, #tpu.memory_space<vmem>>
        %dma_wait3A_271 = tpu.memref_squeeze %dma_wait3A_270 : memref<1x16xf32, #tpu.memory_space<vmem>> -> memref<16xf32, #tpu.memory_space<vmem>>
        %dma_wait3A_272 = tpu.memref_slice %arg2[%run_scoped3A_8, %mul3A_4] : memref<8x128xf32, #tpu.memory_space<hbm>> -> memref<1x16xf32, #tpu.memory_space<hbm>>
        %dma_wait3A_273 = tpu.memref_squeeze %dma_wait3A_272 : memref<1x16xf32, #tpu.memory_space<hbm>> -> memref<16xf32, #tpu.memory_space<hbm>>
        %dma_wait3A_274 = arith.constant 0 : i32
        %dma_wait3A_275 = tpu.memref_slice %arg4[%run_scoped3A_9, %dma_wait3A_274] : memref<8x16xf32, #tpu.memory_space<vmem>> -> memref<1x16xf32, #tpu.memory_space<vmem>>
        %dma_wait3A_276 = tpu.memref_squeeze %dma_wait3A_275 : memref<1x16xf32, #tpu.memory_space<vmem>> -> memref<16xf32, #tpu.memory_space<vmem>>
        %dma_wait3A_277 = tpu.memref_slice %arg2[%run_scoped3A_8, %mul3A_4] : memref<8x128xf32, #tpu.memory_space<hbm>> -> memref<1x16xf32, #tpu.memory_space<hbm>>
        %dma_wait3A_278 = tpu.memref_squeeze %dma_wait3A_277 : memref<1x16xf32, #tpu.memory_space<hbm>> -> memref<16xf32, #tpu.memory_space<hbm>>
        tpu.wait_dma2 semaphore(%run_scoped3A_260 : memref<!tpu.dma_semaphore, #tpu.memory_space<semaphore_mem>>) src(%dma_wait3A_278 : memref<16xf32, #tpu.memory_space<hbm>>) dst(%dma_wait3A_276 : memref<16xf32, #tpu.memory_space<vmem>>)
        tpu.yield
      }) : () -> ()
      %run_scoped3A_10 = arith.constant 3 : i32
      %run_scoped3A_11 = arith.constant 3 : i32
      "tpu.region"() ({
        %run_scoped3A_260 = tpu.sem_alloc : memref<!tpu.dma_semaphore, #tpu.memory_space<semaphore_mem>>
        %dma_start3A = arith.constant 0 : i32
        %dma_start3A_261 = tpu.memref_slice %arg4[%run_scoped3A_11, %dma_start3A] : memref<8x16xf32, #tpu.memory_space<vmem>> -> memref<1x16xf32, #tpu.memory_space<vmem>>
        %dma_start3A_262 = tpu.memref_squeeze %dma_start3A_261 : memref<1x16xf32, #tpu.memory_space<vmem>> -> memref<16xf32, #tpu.memory_space<vmem>>
        %dma_start3A_263 = tpu.memref_slice %arg2[%run_scoped3A_10, %mul3A_4] : memref<8x128xf32, #tpu.memory_space<hbm>> -> memref<1x16xf32, #tpu.memory_space<hbm>>
        %dma_start3A_264 = tpu.memref_squeeze %dma_start3A_263 : memref<1x16xf32, #tpu.memory_space<hbm>> -> memref<16xf32, #tpu.memory_space<hbm>>
        %dma_start3A_265 = arith.constant 0 : i32
        %dma_start3A_266 = tpu.memref_slice %arg4[%run_scoped3A_11, %dma_start3A_265] : memref<8x16xf32, #tpu.memory_space<vmem>> -> memref<1x16xf32, #tpu.memory_space<vmem>>
        %dma_start3A_267 = tpu.memref_squeeze %dma_start3A_266 : memref<1x16xf32, #tpu.memory_space<vmem>> -> memref<16xf32, #tpu.memory_space<vmem>>
        %dma_start3A_268 = tpu.memref_slice %arg2[%run_scoped3A_10, %mul3A_4] : memref<8x128xf32, #tpu.memory_space<hbm>> -> memref<1x16xf32, #tpu.memory_space<hbm>>
        %dma_start3A_269 = tpu.memref_squeeze %dma_start3A_268 : memref<1x16xf32, #tpu.memory_space<hbm>> -> memref<16xf32, #tpu.memory_space<hbm>>
        tpu.enqueue_dma source(%dma_start3A_269 : memref<16xf32, #tpu.memory_space<hbm>>) target(%dma_start3A_267 : memref<16xf32, #tpu.memory_space<vmem>>) target_semaphore(%run_scoped3A_260 : memref<!tpu.dma_semaphore, #tpu.memory_space<semaphore_mem>>)
        %dma_wait3A = arith.constant 0 : i32
        %dma_wait3A_270 = tpu.memref_slice %arg4[%run_scoped3A_11, %dma_wait3A] : memref<8x16xf32, #tpu.memory_space<vmem>> -> memref<1x16xf32, #tpu.memory_space<vmem>>
        %dma_wait3A_271 = tpu.memref_squeeze %dma_wait3A_270 : memref<1x16xf32, #tpu.memory_space<vmem>> -> memref<16xf32, #tpu.memory_space<vmem>>
        %dma_wait3A_272 = tpu.memref_slice %arg2[%run_scoped3A_10, %mul3A_4] : memref<8x128xf32, #tpu.memory_space<hbm>> -> memref<1x16xf32, #tpu.memory_space<hbm>>
        %dma_wait3A_273 = tpu.memref_squeeze %dma_wait3A_272 : memref<1x16xf32, #tpu.memory_space<hbm>> -> memref<16xf32, #tpu.memory_space<hbm>>
        %dma_wait3A_274 = arith.constant 0 : i32
        %dma_wait3A_275 = tpu.memref_slice %arg4[%run_scoped3A_11, %dma_wait3A_274] : memref<8x16xf32, #tpu.memory_space<vmem>> -> memref<1x16xf32, #tpu.memory_space<vmem>>
        %dma_wait3A_276 = tpu.memref_squeeze %dma_wait3A_275 : memref<1x16xf32, #tpu.memory_space<vmem>> -> memref<16xf32, #tpu.memory_space<vmem>>
        %dma_wait3A_277 = tpu.memref_slice %arg2[%run_scoped3A_10, %mul3A_4] : memref<8x128xf32, #tpu.memory_space<hbm>> -> memref<1x16xf32, #tpu.memory_space<hbm>>
        %dma_wait3A_278 = tpu.memref_squeeze %dma_wait3A_277 : memref<1x16xf32, #tpu.memory_space<hbm>> -> memref<16xf32, #tpu.memory_space<hbm>>
        tpu.wait_dma2 semaphore(%run_scoped3A_260 : memref<!tpu.dma_semaphore, #tpu.memory_space<semaphore_mem>>) src(%dma_wait3A_278 : memref<16xf32, #tpu.memory_space<hbm>>) dst(%dma_wait3A_276 : memref<16xf32, #tpu.memory_space<vmem>>)
        tpu.yield
      }) : () -> ()
      %run_scoped3A_12 = arith.constant 4 : i32
      %run_scoped3A_13 = arith.constant 4 : i32
      "tpu.region"() ({
        %run_scoped3A_260 = tpu.sem_alloc : memref<!tpu.dma_semaphore, #tpu.memory_space<semaphore_mem>>
        %dma_start3A = arith.constant 0 : i32
        %dma_start3A_261 = tpu.memref_slice %arg4[%run_scoped3A_13, %dma_start3A] : memref<8x16xf32, #tpu.memory_space<vmem>> -> memref<1x16xf32, #tpu.memory_space<vmem>>
        %dma_start3A_262 = tpu.memref_squeeze %dma_start3A_261 : memref<1x16xf32, #tpu.memory_space<vmem>> -> memref<16xf32, #tpu.memory_space<vmem>>
        %dma_start3A_263 = tpu.memref_slice %arg2[%run_scoped3A_12, %mul3A_4] : memref<8x128xf32, #tpu.memory_space<hbm>> -> memref<1x16xf32, #tpu.memory_space<hbm>>
        %dma_start3A_264 = tpu.memref_squeeze %dma_start3A_263 : memref<1x16xf32, #tpu.memory_space<hbm>> -> memref<16xf32, #tpu.memory_space<hbm>>
        %dma_start3A_265 = arith.constant 0 : i32
        %dma_start3A_266 = tpu.memref_slice %arg4[%run_scoped3A_13, %dma_start3A_265] : memref<8x16xf32, #tpu.memory_space<vmem>> -> memref<1x16xf32, #tpu.memory_space<vmem>>
        %dma_start3A_267 = tpu.memref_squeeze %dma_start3A_266 : memref<1x16xf32, #tpu.memory_space<vmem>> -> memref<16xf32, #tpu.memory_space<vmem>>
        %dma_start3A_268 = tpu.memref_slice %arg2[%run_scoped3A_12, %mul3A_4] : memref<8x128xf32, #tpu.memory_space<hbm>> -> memref<1x16xf32, #tpu.memory_space<hbm>>
        %dma_start3A_269 = tpu.memref_squeeze %dma_start3A_268 : memref<1x16xf32, #tpu.memory_space<hbm>> -> memref<16xf32, #tpu.memory_space<hbm>>
        tpu.enqueue_dma source(%dma_start3A_269 : memref<16xf32, #tpu.memory_space<hbm>>) target(%dma_start3A_267 : memref<16xf32, #tpu.memory_space<vmem>>) target_semaphore(%run_scoped3A_260 : memref<!tpu.dma_semaphore, #tpu.memory_space<semaphore_mem>>)
        %dma_wait3A = arith.constant 0 : i32
        %dma_wait3A_270 = tpu.memref_slice %arg4[%run_scoped3A_13, %dma_wait3A] : memref<8x16xf32, #tpu.memory_space<vmem>> -> memref<1x16xf32, #tpu.memory_space<vmem>>
        %dma_wait3A_271 = tpu.memref_squeeze %dma_wait3A_270 : memref<1x16xf32, #tpu.memory_space<vmem>> -> memref<16xf32, #tpu.memory_space<vmem>>
        %dma_wait3A_272 = tpu.memref_slice %arg2[%run_scoped3A_12, %mul3A_4] : memref<8x128xf32, #tpu.memory_space<hbm>> -> memref<1x16xf32, #tpu.memory_space<hbm>>
        %dma_wait3A_273 = tpu.memref_squeeze %dma_wait3A_272 : memref<1x16xf32, #tpu.memory_space<hbm>> -> memref<16xf32, #tpu.memory_space<hbm>>
        %dma_wait3A_274 = arith.constant 0 : i32
        %dma_wait3A_275 = tpu.memref_slice %arg4[%run_scoped3A_13, %dma_wait3A_274] : memref<8x16xf32, #tpu.memory_space<vmem>> -> memref<1x16xf32, #tpu.memory_space<vmem>>
        %dma_wait3A_276 = tpu.memref_squeeze %dma_wait3A_275 : memref<1x16xf32, #tpu.memory_space<vmem>> -> memref<16xf32, #tpu.memory_space<vmem>>
        %dma_wait3A_277 = tpu.memref_slice %arg2[%run_scoped3A_12, %mul3A_4] : memref<8x128xf32, #tpu.memory_space<hbm>> -> memref<1x16xf32, #tpu.memory_space<hbm>>
        %dma_wait3A_278 = tpu.memref_squeeze %dma_wait3A_277 : memref<1x16xf32, #tpu.memory_space<hbm>> -> memref<16xf32, #tpu.memory_space<hbm>>
        tpu.wait_dma2 semaphore(%run_scoped3A_260 : memref<!tpu.dma_semaphore, #tpu.memory_space<semaphore_mem>>) src(%dma_wait3A_278 : memref<16xf32, #tpu.memory_space<hbm>>) dst(%dma_wait3A_276 : memref<16xf32, #tpu.memory_space<vmem>>)
        tpu.yield
      }) : () -> ()
      %run_scoped3A_14 = arith.constant 5 : i32
      %run_scoped3A_15 = arith.constant 5 : i32
      "tpu.region"() ({
        %run_scoped3A_260 = tpu.sem_alloc : memref<!tpu.dma_semaphore, #tpu.memory_space<semaphore_mem>>
        %dma_start3A = arith.constant 0 : i32
        %dma_start3A_261 = tpu.memref_slice %arg4[%run_scoped3A_15, %dma_start3A] : memref<8x16xf32, #tpu.memory_space<vmem>> -> memref<1x16xf32, #tpu.memory_space<vmem>>
        %dma_start3A_262 = tpu.memref_squeeze %dma_start3A_261 : memref<1x16xf32, #tpu.memory_space<vmem>> -> memref<16xf32, #tpu.memory_space<vmem>>
        %dma_start3A_263 = tpu.memref_slice %arg2[%run_scoped3A_14, %mul3A_4] : memref<8x128xf32, #tpu.memory_space<hbm>> -> memref<1x16xf32, #tpu.memory_space<hbm>>
        %dma_start3A_264 = tpu.memref_squeeze %dma_start3A_263 : memref<1x16xf32, #tpu.memory_space<hbm>> -> memref<16xf32, #tpu.memory_space<hbm>>
        %dma_start3A_265 = arith.constant 0 : i32
        %dma_start3A_266 = tpu.memref_slice %arg4[%run_scoped3A_15, %dma_start3A_265] : memref<8x16xf32, #tpu.memory_space<vmem>> -> memref<1x16xf32, #tpu.memory_space<vmem>>
        %dma_start3A_267 = tpu.memref_squeeze %dma_start3A_266 : memref<1x16xf32, #tpu.memory_space<vmem>> -> memref<16xf32, #tpu.memory_space<vmem>>
        %dma_start3A_268 = tpu.memref_slice %arg2[%run_scoped3A_14, %mul3A_4] : memref<8x128xf32, #tpu.memory_space<hbm>> -> memref<1x16xf32, #tpu.memory_space<hbm>>
        %dma_start3A_269 = tpu.memref_squeeze %dma_start3A_268 : memref<1x16xf32, #tpu.memory_space<hbm>> -> memref<16xf32, #tpu.memory_space<hbm>>
        tpu.enqueue_dma source(%dma_start3A_269 : memref<16xf32, #tpu.memory_space<hbm>>) target(%dma_start3A_267 : memref<16xf32, #tpu.memory_space<vmem>>) target_semaphore(%run_scoped3A_260 : memref<!tpu.dma_semaphore, #tpu.memory_space<semaphore_mem>>)
        %dma_wait3A = arith.constant 0 : i32
        %dma_wait3A_270 = tpu.memref_slice %arg4[%run_scoped3A_15, %dma_wait3A] : memref<8x16xf32, #tpu.memory_space<vmem>> -> memref<1x16xf32, #tpu.memory_space<vmem>>
        %dma_wait3A_271 = tpu.memref_squeeze %dma_wait3A_270 : memref<1x16xf32, #tpu.memory_space<vmem>> -> memref<16xf32, #tpu.memory_space<vmem>>
        %dma_wait3A_272 = tpu.memref_slice %arg2[%run_scoped3A_14, %mul3A_4] : memref<8x128xf32, #tpu.memory_space<hbm>> -> memref<1x16xf32, #tpu.memory_space<hbm>>
        %dma_wait3A_273 = tpu.memref_squeeze %dma_wait3A_272 : memref<1x16xf32, #tpu.memory_space<hbm>> -> memref<16xf32, #tpu.memory_space<hbm>>
        %dma_wait3A_274 = arith.constant 0 : i32
        %dma_wait3A_275 = tpu.memref_slice %arg4[%run_scoped3A_15, %dma_wait3A_274] : memref<8x16xf32, #tpu.memory_space<vmem>> -> memref<1x16xf32, #tpu.memory_space<vmem>>
        %dma_wait3A_276 = tpu.memref_squeeze %dma_wait3A_275 : memref<1x16xf32, #tpu.memory_space<vmem>> -> memref<16xf32, #tpu.memory_space<vmem>>
        %dma_wait3A_277 = tpu.memref_slice %arg2[%run_scoped3A_14, %mul3A_4] : memref<8x128xf32, #tpu.memory_space<hbm>> -> memref<1x16xf32, #tpu.memory_space<hbm>>
        %dma_wait3A_278 = tpu.memref_squeeze %dma_wait3A_277 : memref<1x16xf32, #tpu.memory_space<hbm>> -> memref<16xf32, #tpu.memory_space<hbm>>
        tpu.wait_dma2 semaphore(%run_scoped3A_260 : memref<!tpu.dma_semaphore, #tpu.memory_space<semaphore_mem>>) src(%dma_wait3A_278 : memref<16xf32, #tpu.memory_space<hbm>>) dst(%dma_wait3A_276 : memref<16xf32, #tpu.memory_space<vmem>>)
        tpu.yield
      }) : () -> ()
      %run_scoped3A_16 = arith.constant 6 : i32
      %run_scoped3A_17 = arith.constant 6 : i32
      "tpu.region"() ({
        %run_scoped3A_260 = tpu.sem_alloc : memref<!tpu.dma_semaphore, #tpu.memory_space<semaphore_mem>>
        %dma_start3A = arith.constant 0 : i32
        %dma_start3A_261 = tpu.memref_slice %arg4[%run_scoped3A_17, %dma_start3A] : memref<8x16xf32, #tpu.memory_space<vmem>> -> memref<1x16xf32, #tpu.memory_space<vmem>>
        %dma_start3A_262 = tpu.memref_squeeze %dma_start3A_261 : memref<1x16xf32, #tpu.memory_space<vmem>> -> memref<16xf32, #tpu.memory_space<vmem>>
        %dma_start3A_263 = tpu.memref_slice %arg2[%run_scoped3A_16, %mul3A_4] : memref<8x128xf32, #tpu.memory_space<hbm>> -> memref<1x16xf32, #tpu.memory_space<hbm>>
        %dma_start3A_264 = tpu.memref_squeeze %dma_start3A_263 : memref<1x16xf32, #tpu.memory_space<hbm>> -> memref<16xf32, #tpu.memory_space<hbm>>
        %dma_start3A_265 = arith.constant 0 : i32
        %dma_start3A_266 = tpu.memref_slice %arg4[%run_scoped3A_17, %dma_start3A_265] : memref<8x16xf32, #tpu.memory_space<vmem>> -> memref<1x16xf32, #tpu.memory_space<vmem>>
        %dma_start3A_267 = tpu.memref_squeeze %dma_start3A_266 : memref<1x16xf32, #tpu.memory_space<vmem>> -> memref<16xf32, #tpu.memory_space<vmem>>
        %dma_start3A_268 = tpu.memref_slice %arg2[%run_scoped3A_16, %mul3A_4] : memref<8x128xf32, #tpu.memory_space<hbm>> -> memref<1x16xf32, #tpu.memory_space<hbm>>
        %dma_start3A_269 = tpu.memref_squeeze %dma_start3A_268 : memref<1x16xf32, #tpu.memory_space<hbm>> -> memref<16xf32, #tpu.memory_space<hbm>>
        tpu.enqueue_dma source(%dma_start3A_269 : memref<16xf32, #tpu.memory_space<hbm>>) target(%dma_start3A_267 : memref<16xf32, #tpu.memory_space<vmem>>) target_semaphore(%run_scoped3A_260 : memref<!tpu.dma_semaphore, #tpu.memory_space<semaphore_mem>>)
        %dma_wait3A = arith.constant 0 : i32
        %dma_wait3A_270 = tpu.memref_slice %arg4[%run_scoped3A_17, %dma_wait3A] : memref<8x16xf32, #tpu.memory_space<vmem>> -> memref<1x16xf32, #tpu.memory_space<vmem>>
        %dma_wait3A_271 = tpu.memref_squeeze %dma_wait3A_270 : memref<1x16xf32, #tpu.memory_space<vmem>> -> memref<16xf32, #tpu.memory_space<vmem>>
        %dma_wait3A_272 = tpu.memref_slice %arg2[%run_scoped3A_16, %mul3A_4] : memref<8x128xf32, #tpu.memory_space<hbm>> -> memref<1x16xf32, #tpu.memory_space<hbm>>
        %dma_wait3A_273 = tpu.memref_squeeze %dma_wait3A_272 : memref<1x16xf32, #tpu.memory_space<hbm>> -> memref<16xf32, #tpu.memory_space<hbm>>
        %dma_wait3A_274 = arith.constant 0 : i32
        %dma_wait3A_275 = tpu.memref_slice %arg4[%run_scoped3A_17, %dma_wait3A_274] : memref<8x16xf32, #tpu.memory_space<vmem>> -> memref<1x16xf32, #tpu.memory_space<vmem>>
        %dma_wait3A_276 = tpu.memref_squeeze %dma_wait3A_275 : memref<1x16xf32, #tpu.memory_space<vmem>> -> memref<16xf32, #tpu.memory_space<vmem>>
        %dma_wait3A_277 = tpu.memref_slice %arg2[%run_scoped3A_16, %mul3A_4] : memref<8x128xf32, #tpu.memory_space<hbm>> -> memref<1x16xf32, #tpu.memory_space<hbm>>
        %dma_wait3A_278 = tpu.memref_squeeze %dma_wait3A_277 : memref<1x16xf32, #tpu.memory_space<hbm>> -> memref<16xf32, #tpu.memory_space<hbm>>
        tpu.wait_dma2 semaphore(%run_scoped3A_260 : memref<!tpu.dma_semaphore, #tpu.memory_space<semaphore_mem>>) src(%dma_wait3A_278 : memref<16xf32, #tpu.memory_space<hbm>>) dst(%dma_wait3A_276 : memref<16xf32, #tpu.memory_space<vmem>>)
        tpu.yield
      }) : () -> ()
      %run_scoped3A_18 = arith.constant 7 : i32
      %run_scoped3A_19 = arith.constant 7 : i32
      "tpu.region"() ({
        %run_scoped3A_260 = tpu.sem_alloc : memref<!tpu.dma_semaphore, #tpu.memory_space<semaphore_mem>>
        %dma_start3A = arith.constant 0 : i32
        %dma_start3A_261 = tpu.memref_slice %arg4[%run_scoped3A_19, %dma_start3A] : memref<8x16xf32, #tpu.memory_space<vmem>> -> memref<1x16xf32, #tpu.memory_space<vmem>>
        %dma_start3A_262 = tpu.memref_squeeze %dma_start3A_261 : memref<1x16xf32, #tpu.memory_space<vmem>> -> memref<16xf32, #tpu.memory_space<vmem>>
        %dma_start3A_263 = tpu.memref_slice %arg2[%run_scoped3A_18, %mul3A_4] : memref<8x128xf32, #tpu.memory_space<hbm>> -> memref<1x16xf32, #tpu.memory_space<hbm>>
        %dma_start3A_264 = tpu.memref_squeeze %dma_start3A_263 : memref<1x16xf32, #tpu.memory_space<hbm>> -> memref<16xf32, #tpu.memory_space<hbm>>
        %dma_start3A_265 = arith.constant 0 : i32
        %dma_start3A_266 = tpu.memref_slice %arg4[%run_scoped3A_19, %dma_start3A_265] : memref<8x16xf32, #tpu.memory_space<vmem>> -> memref<1x16xf32, #tpu.memory_space<vmem>>
        %dma_start3A_267 = tpu.memref_squeeze %dma_start3A_266 : memref<1x16xf32, #tpu.memory_space<vmem>> -> memref<16xf32, #tpu.memory_space<vmem>>
        %dma_start3A_268 = tpu.memref_slice %arg2[%run_scoped3A_18, %mul3A_4] : memref<8x128xf32, #tpu.memory_space<hbm>> -> memref<1x16xf32, #tpu.memory_space<hbm>>
        %dma_start3A_269 = tpu.memref_squeeze %dma_start3A_268 : memref<1x16xf32, #tpu.memory_space<hbm>> -> memref<16xf32, #tpu.memory_space<hbm>>
        tpu.enqueue_dma source(%dma_start3A_269 : memref<16xf32, #tpu.memory_space<hbm>>) target(%dma_start3A_267 : memref<16xf32, #tpu.memory_space<vmem>>) target_semaphore(%run_scoped3A_260 : memref<!tpu.dma_semaphore, #tpu.memory_space<semaphore_mem>>)
        %dma_wait3A = arith.constant 0 : i32
        %dma_wait3A_270 = tpu.memref_slice %arg4[%run_scoped3A_19, %dma_wait3A] : memref<8x16xf32, #tpu.memory_space<vmem>> -> memref<1x16xf32, #tpu.memory_space<vmem>>
        %dma_wait3A_271 = tpu.memref_squeeze %dma_wait3A_270 : memref<1x16xf32, #tpu.memory_space<vmem>> -> memref<16xf32, #tpu.memory_space<vmem>>
        %dma_wait3A_272 = tpu.memref_slice %arg2[%run_scoped3A_18, %mul3A_4] : memref<8x128xf32, #tpu.memory_space<hbm>> -> memref<1x16xf32, #tpu.memory_space<hbm>>
        %dma_wait3A_273 = tpu.memref_squeeze %dma_wait3A_272 : memref<1x16xf32, #tpu.memory_space<hbm>> -> memref<16xf32, #tpu.memory_space<hbm>>
        %dma_wait3A_274 = arith.constant 0 : i32
        %dma_wait3A_275 = tpu.memref_slice %arg4[%run_scoped3A_19, %dma_wait3A_274] : memref<8x16xf32, #tpu.memory_space<vmem>> -> memref<1x16xf32, #tpu.memory_space<vmem>>
        %dma_wait3A_276 = tpu.memref_squeeze %dma_wait3A_275 : memref<1x16xf32, #tpu.memory_space<vmem>> -> memref<16xf32, #tpu.memory_space<vmem>>
        %dma_wait3A_277 = tpu.memref_slice %arg2[%run_scoped3A_18, %mul3A_4] : memref<8x128xf32, #tpu.memory_space<hbm>> -> memref<1x16xf32, #tpu.memory_space<hbm>>
        %dma_wait3A_278 = tpu.memref_squeeze %dma_wait3A_277 : memref<1x16xf32, #tpu.memory_space<hbm>> -> memref<16xf32, #tpu.memory_space<hbm>>
        tpu.wait_dma2 semaphore(%run_scoped3A_260 : memref<!tpu.dma_semaphore, #tpu.memory_space<semaphore_mem>>) src(%dma_wait3A_278 : memref<16xf32, #tpu.memory_space<hbm>>) dst(%dma_wait3A_276 : memref<16xf32, #tpu.memory_space<vmem>>)
        tpu.yield
      }) : () -> ()
      %get3A = arith.constant 0 : i32
      %get3A_20 = arith.index_cast %get3A : i32 to index
      %get3A_21 = arith.constant 0 : index
      %get3A_22 = tpu.vector_load %arg4[%get3A_20, %get3A_21] {strides = array<i32>} : memref<8x16xf32, #tpu.memory_space<vmem>>, vector<1x16xf32>,
      %get3A_23 = vector.shape_cast %get3A_22 : vector<1x16xf32> to vector<16xf32>
      %broadcast_in_dim3A = arith.constant 0 : i32
      %broadcast_in_dim3A_24 = vector.broadcast %broadcast_in_dim3A : i32 to vector<16xi32>
      %broadcast_in_dim3A_25 = arith.constant 0xFF800000 : f32
      %broadcast_in_dim3A_26 = vector.broadcast %broadcast_in_dim3A_25 : f32 to vector<16xf32>
      %broadcast_in_dim3A_27 = arith.constant 0 : i32
      %broadcast_in_dim3A_28 = vector.broadcast %broadcast_in_dim3A_27 : i32 to vector<16xi32>
      %get3A_29 = arith.constant 1 : i32
      %get3A_30 = arith.index_cast %get3A_29 : i32 to index
      %get3A_31 = arith.constant 0 : index
      %get3A_32 = tpu.vector_load %arg4[%get3A_30, %get3A_31] {strides = array<i32>} : memref<8x16xf32, #tpu.memory_space<vmem>>, vector<1x16xf32>,
      %get3A_33 = vector.shape_cast %get3A_32 : vector<1x16xf32> to vector<16xf32>
      %broadcast_in_dim3A_34 = arith.constant 1 : i32
      %broadcast_in_dim3A_35 = vector.broadcast %broadcast_in_dim3A_34 : i32 to vector<16xi32>
      %gt3A = arith.cmpf ogt, %get3A_33, %get3A_23 : vector<16xf32>
      %gt3A_36 = arith.cmpf ogt, %get3A_33, %broadcast_in_dim3A_26 : vector<16xf32>
      %select_n3A = arith.select %gt3A_36, %get3A_33, %broadcast_in_dim3A_26 : vector<16xi1>, vector<16xf32>
      %select_n3A_37 = arith.select %gt3A, %get3A_23, %select_n3A : vector<16xi1>, vector<16xf32>
      %select_n3A_38 = arith.select %gt3A_36, %broadcast_in_dim3A_35, %broadcast_in_dim3A_28 : vector<16xi1>, vector<16xi32>
      %select_n3A_39 = arith.select %gt3A, %broadcast_in_dim3A_24, %select_n3A_38 : vector<16xi1>, vector<16xi32>
      %select_n3A_40 = arith.select %gt3A, %get3A_33, %get3A_23 : vector<16xi1>, vector<16xf32>
      %select_n3A_41 = arith.select %gt3A, %broadcast_in_dim3A_35, %broadcast_in_dim3A_24 : vector<16xi1>, vector<16xi32>
      %get3A_42 = arith.constant 2 : i32
      %get3A_43 = arith.index_cast %get3A_42 : i32 to index
      %get3A_44 = arith.constant 0 : index
      %get3A_45 = tpu.vector_load %arg4[%get3A_43, %get3A_44] {strides = array<i32>} : memref<8x16xf32, #tpu.memory_space<vmem>>, vector<1x16xf32>,
      %get3A_46 = vector.shape_cast %get3A_45 : vector<1x16xf32> to vector<16xf32>
      %broadcast_in_dim3A_47 = arith.constant 2 : i32
      %broadcast_in_dim3A_48 = vector.broadcast %broadcast_in_dim3A_47 : i32 to vector<16xi32>
      %gt3A_49 = arith.cmpf ogt, %get3A_46, %select_n3A_40 : vector<16xf32>
      %gt3A_50 = arith.cmpf ogt, %get3A_46, %select_n3A_37 : vector<16xf32>
      %select_n3A_51 = arith.select %gt3A_50, %get3A_46, %select_n3A_37 : vector<16xi1>, vector<16xf32>
      %select_n3A_52 = arith.select %gt3A_49, %select_n3A_40, %select_n3A_51 : vector<16xi1>, vector<16xf32>
      %select_n3A_53 = arith.select %gt3A_50, %broadcast_in_dim3A_48, %select_n3A_39 : vector<16xi1>, vector<16xi32>
      %select_n3A_54 = arith.select %gt3A_49, %select_n3A_41, %select_n3A_53 : vector<16xi1>, vector<16xi32>
      %select_n3A_55 = arith.select %gt3A_49, %get3A_46, %select_n3A_40 : vector<16xi1>, vector<16xf32>
      %select_n3A_56 = arith.select %gt3A_49, %broadcast_in_dim3A_48, %select_n3A_41 : vector<16xi1>, vector<16xi32>
      %get3A_57 = arith.constant 3 : i32
      %get3A_58 = arith.index_cast %get3A_57 : i32 to index
      %get3A_59 = arith.constant 0 : index
      %get3A_60 = tpu.vector_load %arg4[%get3A_58, %get3A_59] {strides = array<i32>} : memref<8x16xf32, #tpu.memory_space<vmem>>, vector<1x16xf32>,
      %get3A_61 = vector.shape_cast %get3A_60 : vector<1x16xf32> to vector<16xf32>
      %broadcast_in_dim3A_62 = arith.constant 3 : i32
      %broadcast_in_dim3A_63 = vector.broadcast %broadcast_in_dim3A_62 : i32 to vector<16xi32>
      %gt3A_64 = arith.cmpf ogt, %get3A_61, %select_n3A_55 : vector<16xf32>
      %gt3A_65 = arith.cmpf ogt, %get3A_61, %select_n3A_52 : vector<16xf32>
      %select_n3A_66 = arith.select %gt3A_65, %get3A_61, %select_n3A_52 : vector<16xi1>, vector<16xf32>
      %select_n3A_67 = arith.select %gt3A_64, %select_n3A_55, %select_n3A_66 : vector<16xi1>, vector<16xf32>
      %select_n3A_68 = arith.select %gt3A_65, %broadcast_in_dim3A_63, %select_n3A_54 : vector<16xi1>, vector<16xi32>
      %select_n3A_69 = arith.select %gt3A_64, %select_n3A_56, %select_n3A_68 : vector<16xi1>, vector<16xi32>
      %select_n3A_70 = arith.select %gt3A_64, %get3A_61, %select_n3A_55 : vector<16xi1>, vector<16xf32>
      %select_n3A_71 = arith.select %gt3A_64, %broadcast_in_dim3A_63, %select_n3A_56 : vector<16xi1>, vector<16xi32>
      %get3A_72 = arith.constant 4 : i32
      %get3A_73 = arith.index_cast %get3A_72 : i32 to index
      %get3A_74 = arith.constant 0 : index
      %get3A_75 = tpu.vector_load %arg4[%get3A_73, %get3A_74] {strides = array<i32>} : memref<8x16xf32, #tpu.memory_space<vmem>>, vector<1x16xf32>,
      %get3A_76 = vector.shape_cast %get3A_75 : vector<1x16xf32> to vector<16xf32>
      %broadcast_in_dim3A_77 = arith.constant 4 : i32
      %broadcast_in_dim3A_78 = vector.broadcast %broadcast_in_dim3A_77 : i32 to vector<16xi32>
      %gt3A_79 = arith.cmpf ogt, %get3A_76, %select_n3A_70 : vector<16xf32>
      %gt3A_80 = arith.cmpf ogt, %get3A_76, %select_n3A_67 : vector<16xf32>
      %select_n3A_81 = arith.select %gt3A_80, %get3A_76, %select_n3A_67 : vector<16xi1>, vector<16xf32>
      %select_n3A_82 = arith.select %gt3A_79, %select_n3A_70, %select_n3A_81 : vector<16xi1>, vector<16xf32>
      %select_n3A_83 = arith.select %gt3A_80, %broadcast_in_dim3A_78, %select_n3A_69 : vector<16xi1>, vector<16xi32>
      %select_n3A_84 = arith.select %gt3A_79, %select_n3A_71, %select_n3A_83 : vector<16xi1>, vector<16xi32>
      %select_n3A_85 = arith.select %gt3A_79, %get3A_76, %select_n3A_70 : vector<16xi1>, vector<16xf32>
      %select_n3A_86 = arith.select %gt3A_79, %broadcast_in_dim3A_78, %select_n3A_71 : vector<16xi1>, vector<16xi32>
      %get3A_87 = arith.constant 5 : i32
      %get3A_88 = arith.index_cast %get3A_87 : i32 to index
      %get3A_89 = arith.constant 0 : index
      %get3A_90 = tpu.vector_load %arg4[%get3A_88, %get3A_89] {strides = array<i32>} : memref<8x16xf32, #tpu.memory_space<vmem>>, vector<1x16xf32>,
      %get3A_91 = vector.shape_cast %get3A_90 : vector<1x16xf32> to vector<16xf32>
      %broadcast_in_dim3A_92 = arith.constant 5 : i32
      %broadcast_in_dim3A_93 = vector.broadcast %broadcast_in_dim3A_92 : i32 to vector<16xi32>
      %gt3A_94 = arith.cmpf ogt, %get3A_91, %select_n3A_85 : vector<16xf32>
      %gt3A_95 = arith.cmpf ogt, %get3A_91, %select_n3A_82 : vector<16xf32>
      %select_n3A_96 = arith.select %gt3A_95, %get3A_91, %select_n3A_82 : vector<16xi1>, vector<16xf32>
      %select_n3A_97 = arith.select %gt3A_94, %select_n3A_85, %select_n3A_96 : vector<16xi1>, vector<16xf32>
      %select_n3A_98 = arith.select %gt3A_95, %broadcast_in_dim3A_93, %select_n3A_84 : vector<16xi1>, vector<16xi32>
      %select_n3A_99 = arith.select %gt3A_94, %select_n3A_86, %select_n3A_98 : vector<16xi1>, vector<16xi32>
      %select_n3A_100 = arith.select %gt3A_94, %get3A_91, %select_n3A_85 : vector<16xi1>, vector<16xf32>
      %select_n3A_101 = arith.select %gt3A_94, %broadcast_in_dim3A_93, %select_n3A_86 : vector<16xi1>, vector<16xi32>
      %get3A_102 = arith.constant 6 : i32
      %get3A_103 = arith.index_cast %get3A_102 : i32 to index
      %get3A_104 = arith.constant 0 : index
      %get3A_105 = tpu.vector_load %arg4[%get3A_103, %get3A_104] {strides = array<i32>} : memref<8x16xf32, #tpu.memory_space<vmem>>, vector<1x16xf32>,
      %get3A_106 = vector.shape_cast %get3A_105 : vector<1x16xf32> to vector<16xf32>
      %broadcast_in_dim3A_107 = arith.constant 6 : i32
      %broadcast_in_dim3A_108 = vector.broadcast %broadcast_in_dim3A_107 : i32 to vector<16xi32>
      %gt3A_109 = arith.cmpf ogt, %get3A_106, %select_n3A_100 : vector<16xf32>
      %gt3A_110 = arith.cmpf ogt, %get3A_106, %select_n3A_97 : vector<16xf32>
      %select_n3A_111 = arith.select %gt3A_110, %get3A_106, %select_n3A_97 : vector<16xi1>, vector<16xf32>
      %select_n3A_112 = arith.select %gt3A_109, %select_n3A_100, %select_n3A_111 : vector<16xi1>, vector<16xf32>
      %select_n3A_113 = arith.select %gt3A_110, %broadcast_in_dim3A_108, %select_n3A_99 : vector<16xi1>, vector<16xi32>
      %select_n3A_114 = arith.select %gt3A_109, %select_n3A_101, %select_n3A_113 : vector<16xi1>, vector<16xi32>
      %select_n3A_115 = arith.select %gt3A_109, %get3A_106, %select_n3A_100 : vector<16xi1>, vector<16xf32>
      %select_n3A_116 = arith.select %gt3A_109, %broadcast_in_dim3A_108, %select_n3A_101 : vector<16xi1>, vector<16xi32>
      %get3A_117 = arith.constant 7 : i32
      %get3A_118 = arith.index_cast %get3A_117 : i32 to index
      %get3A_119 = arith.constant 0 : index
      %get3A_120 = tpu.vector_load %arg4[%get3A_118, %get3A_119] {strides = array<i32>} : memref<8x16xf32, #tpu.memory_space<vmem>>, vector<1x16xf32>,
      %get3A_121 = vector.shape_cast %get3A_120 : vector<1x16xf32> to vector<16xf32>
      %broadcast_in_dim3A_122 = arith.constant 7 : i32
      %broadcast_in_dim3A_123 = vector.broadcast %broadcast_in_dim3A_122 : i32 to vector<16xi32>
      %gt3A_124 = arith.cmpf ogt, %get3A_121, %select_n3A_115 : vector<16xf32>
      %gt3A_125 = arith.cmpf ogt, %get3A_121, %select_n3A_112 : vector<16xf32>
      %select_n3A_126 = arith.select %gt3A_125, %get3A_121, %select_n3A_112 : vector<16xi1>, vector<16xf32>
      %select_n3A_127 = arith.select %gt3A_124, %select_n3A_115, %select_n3A_126 : vector<16xi1>, vector<16xf32>
      %select_n3A_128 = arith.select %gt3A_125, %broadcast_in_dim3A_123, %select_n3A_114 : vector<16xi1>, vector<16xi32>
      %select_n3A_129 = arith.select %gt3A_124, %select_n3A_116, %select_n3A_128 : vector<16xi1>, vector<16xi32>
      %select_n3A_130 = arith.select %gt3A_124, %get3A_121, %select_n3A_115 : vector<16xi1>, vector<16xf32>
      %select_n3A_131 = arith.select %gt3A_124, %broadcast_in_dim3A_123, %select_n3A_116 : vector<16xi1>, vector<16xi32>
      %sub3A = arith.subf %select_n3A_127, %select_n3A_130 : vector<16xf32>
      %exp3A = math.exp %sub3A : vector<16xf32>
      %add3A_132 = arith.constant 1.000000e+00 : f32
      %add3A_133 = vector.broadcast %add3A_132 : f32 to vector<16xf32>
      %add3A_134 = arith.addf %add3A_133, %exp3A : vector<16xf32>
      %div3A = arith.constant 1.000000e+00 : f32
      %div3A_135 = vector.broadcast %div3A : f32 to vector<16xf32>
      %div3A_136 = arith.divf %div3A_135, %add3A_134 : vector<16xf32>
      %sub3A_137 = arith.constant 1.000000e+00 : f32
      %sub3A_138 = vector.broadcast %sub3A_137 : f32 to vector<16xf32>
      %sub3A_139 = arith.subf %sub3A_138, %div3A_136 : vector<16xf32>
      %broadcast_in_dim3A_140 = arith.constant 0.000000e+00 : f32
      %broadcast_in_dim3A_141 = vector.broadcast %broadcast_in_dim3A_140 : f32 to vector<16xf32>
      %broadcast_in_dim3A_142 = arith.constant 0 : i32
      %broadcast_in_dim3A_143 = vector.broadcast %broadcast_in_dim3A_142 : i32 to vector<16xi32>
      %eq3A = arith.cmpi eq, %select_n3A_131, %broadcast_in_dim3A_143 : vector<16xi32>
      %select_n3A_144 = arith.select %eq3A, %div3A_136, %broadcast_in_dim3A_141 : vector<16xi1>, vector<16xf32>
      %eq3A_145 = arith.cmpi eq, %select_n3A_129, %broadcast_in_dim3A_143 : vector<16xi32>
      %select_n3A_146 = arith.select %eq3A_145, %sub3A_139, %broadcast_in_dim3A_141 : vector<16xi1>, vector<16xf32>
      %add3A_147 = arith.addf %select_n3A_144, %select_n3A_146 : vector<16xf32>
      %swap3A = arith.constant 0 : i32
      %swap3A_148 = arith.index_cast %swap3A : i32 to index
      %swap3A_149 = arith.constant 0 : index
      %swap3A_150 = tpu.vector_load %arg5[%swap3A_148, %swap3A_149] {strides = array<i32>} : memref<8x16xf32, #tpu.memory_space<vmem>>, vector<1x16xf32>,
      %swap3A_151 = vector.shape_cast %swap3A_150 : vector<1x16xf32> to vector<16xf32>
      %swap3A_152 = vector.shape_cast %add3A_147 : vector<16xf32> to vector<1x16xf32>
      tpu.vector_store %arg5[%swap3A_148, %swap3A_149], %swap3A_152 {strides = array<i32>} : memref<8x16xf32, #tpu.memory_space<vmem>>, vector<1x16xf32>,
      %broadcast_in_dim3A_153 = arith.constant 1 : i32
      %broadcast_in_dim3A_154 = vector.broadcast %broadcast_in_dim3A_153 : i32 to vector<16xi32>
      %eq3A_155 = arith.cmpi eq, %select_n3A_131, %broadcast_in_dim3A_154 : vector<16xi32>
      %select_n3A_156 = arith.select %eq3A_155, %div3A_136, %broadcast_in_dim3A_141 : vector<16xi1>, vector<16xf32>
      %eq3A_157 = arith.cmpi eq, %select_n3A_129, %broadcast_in_dim3A_154 : vector<16xi32>
      %select_n3A_158 = arith.select %eq3A_157, %sub3A_139, %broadcast_in_dim3A_141 : vector<16xi1>, vector<16xf32>
      %add3A_159 = arith.addf %select_n3A_156, %select_n3A_158 : vector<16xf32>
      %swap3A_160 = arith.constant 1 : i32
      %swap3A_161 = arith.index_cast %swap3A_160 : i32 to index
      %swap3A_162 = arith.constant 0 : index
      %swap3A_163 = tpu.vector_load %arg5[%swap3A_161, %swap3A_162] {strides = array<i32>} : memref<8x16xf32, #tpu.memory_space<vmem>>, vector<1x16xf32>,
      %swap3A_164 = vector.shape_cast %swap3A_163 : vector<1x16xf32> to vector<16xf32>
      %swap3A_165 = vector.shape_cast %add3A_159 : vector<16xf32> to vector<1x16xf32>
      tpu.vector_store %arg5[%swap3A_161, %swap3A_162], %swap3A_165 {strides = array<i32>} : memref<8x16xf32, #tpu.memory_space<vmem>>, vector<1x16xf32>,
      %broadcast_in_dim3A_166 = arith.constant 2 : i32
      %broadcast_in_dim3A_167 = vector.broadcast %broadcast_in_dim3A_166 : i32 to vector<16xi32>
      %eq3A_168 = arith.cmpi eq, %select_n3A_131, %broadcast_in_dim3A_167 : vector<16xi32>
      %select_n3A_169 = arith.select %eq3A_168, %div3A_136, %broadcast_in_dim3A_141 : vector<16xi1>, vector<16xf32>
      %eq3A_170 = arith.cmpi eq, %select_n3A_129, %broadcast_in_dim3A_167 : vector<16xi32>
      %select_n3A_171 = arith.select %eq3A_170, %sub3A_139, %broadcast_in_dim3A_141 : vector<16xi1>, vector<16xf32>
      %add3A_172 = arith.addf %select_n3A_169, %select_n3A_171 : vector<16xf32>
      %swap3A_173 = arith.constant 2 : i32
      %swap3A_174 = arith.index_cast %swap3A_173 : i32 to index
      %swap3A_175 = arith.constant 0 : index
      %swap3A_176 = tpu.vector_load %arg5[%swap3A_174, %swap3A_175] {strides = array<i32>} : memref<8x16xf32, #tpu.memory_space<vmem>>, vector<1x16xf32>,
      %swap3A_177 = vector.shape_cast %swap3A_176 : vector<1x16xf32> to vector<16xf32>
      %swap3A_178 = vector.shape_cast %add3A_172 : vector<16xf32> to vector<1x16xf32>
      tpu.vector_store %arg5[%swap3A_174, %swap3A_175], %swap3A_178 {strides = array<i32>} : memref<8x16xf32, #tpu.memory_space<vmem>>, vector<1x16xf32>,
      %broadcast_in_dim3A_179 = arith.constant 3 : i32
      %broadcast_in_dim3A_180 = vector.broadcast %broadcast_in_dim3A_179 : i32 to vector<16xi32>
      %eq3A_181 = arith.cmpi eq, %select_n3A_131, %broadcast_in_dim3A_180 : vector<16xi32>
      %select_n3A_182 = arith.select %eq3A_181, %div3A_136, %broadcast_in_dim3A_141 : vector<16xi1>, vector<16xf32>
      %eq3A_183 = arith.cmpi eq, %select_n3A_129, %broadcast_in_dim3A_180 : vector<16xi32>
      %select_n3A_184 = arith.select %eq3A_183, %sub3A_139, %broadcast_in_dim3A_141 : vector<16xi1>, vector<16xf32>
      %add3A_185 = arith.addf %select_n3A_182, %select_n3A_184 : vector<16xf32>
      %swap3A_186 = arith.constant 3 : i32
      %swap3A_187 = arith.index_cast %swap3A_186 : i32 to index
      %swap3A_188 = arith.constant 0 : index
      %swap3A_189 = tpu.vector_load %arg5[%swap3A_187, %swap3A_188] {strides = array<i32>} : memref<8x16xf32, #tpu.memory_space<vmem>>, vector<1x16xf32>,
      %swap3A_190 = vector.shape_cast %swap3A_189 : vector<1x16xf32> to vector<16xf32>
      %swap3A_191 = vector.shape_cast %add3A_185 : vector<16xf32> to vector<1x16xf32>
      tpu.vector_store %arg5[%swap3A_187, %swap3A_188], %swap3A_191 {strides = array<i32>} : memref<8x16xf32, #tpu.memory_space<vmem>>, vector<1x16xf32>,
      %broadcast_in_dim3A_192 = arith.constant 4 : i32
      %broadcast_in_dim3A_193 = vector.broadcast %broadcast_in_dim3A_192 : i32 to vector<16xi32>
      %eq3A_194 = arith.cmpi eq, %select_n3A_131, %broadcast_in_dim3A_193 : vector<16xi32>
      %select_n3A_195 = arith.select %eq3A_194, %div3A_136, %broadcast_in_dim3A_141 : vector<16xi1>, vector<16xf32>
      %eq3A_196 = arith.cmpi eq, %select_n3A_129, %broadcast_in_dim3A_193 : vector<16xi32>
      %select_n3A_197 = arith.select %eq3A_196, %sub3A_139, %broadcast_in_dim3A_141 : vector<16xi1>, vector<16xf32>
      %add3A_198 = arith.addf %select_n3A_195, %select_n3A_197 : vector<16xf32>
      %swap3A_199 = arith.constant 4 : i32
      %swap3A_200 = arith.index_cast %swap3A_199 : i32 to index
      %swap3A_201 = arith.constant 0 : index
      %swap3A_202 = tpu.vector_load %arg5[%swap3A_200, %swap3A_201] {strides = array<i32>} : memref<8x16xf32, #tpu.memory_space<vmem>>, vector<1x16xf32>,
      %swap3A_203 = vector.shape_cast %swap3A_202 : vector<1x16xf32> to vector<16xf32>
      %swap3A_204 = vector.shape_cast %add3A_198 : vector<16xf32> to vector<1x16xf32>
      tpu.vector_store %arg5[%swap3A_200, %swap3A_201], %swap3A_204 {strides = array<i32>} : memref<8x16xf32, #tpu.memory_space<vmem>>, vector<1x16xf32>,
      %broadcast_in_dim3A_205 = arith.constant 5 : i32
      %broadcast_in_dim3A_206 = vector.broadcast %broadcast_in_dim3A_205 : i32 to vector<16xi32>
      %eq3A_207 = arith.cmpi eq, %select_n3A_131, %broadcast_in_dim3A_206 : vector<16xi32>
      %select_n3A_208 = arith.select %eq3A_207, %div3A_136, %broadcast_in_dim3A_141 : vector<16xi1>, vector<16xf32>
      %eq3A_209 = arith.cmpi eq, %select_n3A_129, %broadcast_in_dim3A_206 : vector<16xi32>
      %select_n3A_210 = arith.select %eq3A_209, %sub3A_139, %broadcast_in_dim3A_141 : vector<16xi1>, vector<16xf32>
      %add3A_211 = arith.addf %select_n3A_208, %select_n3A_210 : vector<16xf32>
      %swap3A_212 = arith.constant 5 : i32
      %swap3A_213 = arith.index_cast %swap3A_212 : i32 to index
      %swap3A_214 = arith.constant 0 : index
      %swap3A_215 = tpu.vector_load %arg5[%swap3A_213, %swap3A_214] {strides = array<i32>} : memref<8x16xf32, #tpu.memory_space<vmem>>, vector<1x16xf32>,
      %swap3A_216 = vector.shape_cast %swap3A_215 : vector<1x16xf32> to vector<16xf32>
      %swap3A_217 = vector.shape_cast %add3A_211 : vector<16xf32> to vector<1x16xf32>
      tpu.vector_store %arg5[%swap3A_213, %swap3A_214], %swap3A_217 {strides = array<i32>} : memref<8x16xf32, #tpu.memory_space<vmem>>, vector<1x16xf32>,
      %broadcast_in_dim3A_218 = arith.constant 6 : i32
      %broadcast_in_dim3A_219 = vector.broadcast %broadcast_in_dim3A_218 : i32 to vector<16xi32>
      %eq3A_220 = arith.cmpi eq, %select_n3A_131, %broadcast_in_dim3A_219 : vector<16xi32>
      %select_n3A_221 = arith.select %eq3A_220, %div3A_136, %broadcast_in_dim3A_141 : vector<16xi1>, vector<16xf32>
      %eq3A_222 = arith.cmpi eq, %select_n3A_129, %broadcast_in_dim3A_219 : vector<16xi32>
      %select_n3A_223 = arith.select %eq3A_222, %sub3A_139, %broadcast_in_dim3A_141 : vector<16xi1>, vector<16xf32>
      %add3A_224 = arith.addf %select_n3A_221, %select_n3A_223 : vector<16xf32>
      %swap3A_225 = arith.constant 6 : i32
      %swap3A_226 = arith.index_cast %swap3A_225 : i32 to index
      %swap3A_227 = arith.constant 0 : index
      %swap3A_228 = tpu.vector_load %arg5[%swap3A_226, %swap3A_227] {strides = array<i32>} : memref<8x16xf32, #tpu.memory_space<vmem>>, vector<1x16xf32>,
      %swap3A_229 = vector.shape_cast %swap3A_228 : vector<1x16xf32> to vector<16xf32>
      %swap3A_230 = vector.shape_cast %add3A_224 : vector<16xf32> to vector<1x16xf32>
      tpu.vector_store %arg5[%swap3A_226, %swap3A_227], %swap3A_230 {strides = array<i32>} : memref<8x16xf32, #tpu.memory_space<vmem>>, vector<1x16xf32>,
      %broadcast_in_dim3A_231 = arith.constant 7 : i32
      %broadcast_in_dim3A_232 = vector.broadcast %broadcast_in_dim3A_231 : i32 to vector<16xi32>
      %eq3A_233 = arith.cmpi eq, %select_n3A_131, %broadcast_in_dim3A_232 : vector<16xi32>
      %select_n3A_234 = arith.select %eq3A_233, %div3A_136, %broadcast_in_dim3A_141 : vector<16xi1>, vector<16xf32>
      %eq3A_235 = arith.cmpi eq, %select_n3A_129, %broadcast_in_dim3A_232 : vector<16xi32>
      %select_n3A_236 = arith.select %eq3A_235, %sub3A_139, %broadcast_in_dim3A_141 : vector<16xi1>, vector<16xf32>
      %add3A_237 = arith.addf %select_n3A_234, %select_n3A_236 : vector<16xf32>
      %swap3A_238 = arith.constant 7 : i32
      %swap3A_239 = arith.index_cast %swap3A_238 : i32 to index
      %swap3A_240 = arith.constant 0 : index
      %swap3A_241 = tpu.vector_load %arg5[%swap3A_239, %swap3A_240] {strides = array<i32>} : memref<8x16xf32, #tpu.memory_space<vmem>>, vector<1x16xf32>,
      %swap3A_242 = vector.shape_cast %swap3A_241 : vector<1x16xf32> to vector<16xf32>
      %swap3A_243 = vector.shape_cast %add3A_237 : vector<16xf32> to vector<1x16xf32>
      tpu.vector_store %arg5[%swap3A_239, %swap3A_240], %swap3A_243 {strides = array<i32>} : memref<8x16xf32, #tpu.memory_space<vmem>>, vector<1x16xf32>,
      %run_scoped3A_244 = arith.constant 0 : i32
      %run_scoped3A_245 = arith.constant 0 : i32
      "tpu.region"() ({
        %run_scoped3A_260 = tpu.sem_alloc : memref<!tpu.dma_semaphore, #tpu.memory_space<semaphore_mem>>
        %dma_start3A = arith.constant 0 : i32
        %dma_start3A_261 = tpu.memref_slice %arg5[%run_scoped3A_244, %dma_start3A] : memref<8x16xf32, #tpu.memory_space<vmem>> -> memref<1x16xf32, #tpu.memory_space<vmem>>
        %dma_start3A_262 = tpu.memref_squeeze %dma_start3A_261 : memref<1x16xf32, #tpu.memory_space<vmem>> -> memref<16xf32, #tpu.memory_space<vmem>>
        %dma_start3A_263 = tpu.memref_slice %arg3[%run_scoped3A_245, %mul3A_4] : memref<8x128xf32, #tpu.memory_space<hbm>> -> memref<1x16xf32, #tpu.memory_space<hbm>>
        %dma_start3A_264 = tpu.memref_squeeze %dma_start3A_263 : memref<1x16xf32, #tpu.memory_space<hbm>> -> memref<16xf32, #tpu.memory_space<hbm>>
        %dma_start3A_265 = tpu.memref_slice %arg3[%run_scoped3A_245, %mul3A_4] : memref<8x128xf32, #tpu.memory_space<hbm>> -> memref<1x16xf32, #tpu.memory_space<hbm>>
        %dma_start3A_266 = tpu.memref_squeeze %dma_start3A_265 : memref<1x16xf32, #tpu.memory_space<hbm>> -> memref<16xf32, #tpu.memory_space<hbm>>
        %dma_start3A_267 = arith.constant 0 : i32
        %dma_start3A_268 = tpu.memref_slice %arg5[%run_scoped3A_244, %dma_start3A_267] : memref<8x16xf32, #tpu.memory_space<vmem>> -> memref<1x16xf32, #tpu.memory_space<vmem>>
        %dma_start3A_269 = tpu.memref_squeeze %dma_start3A_268 : memref<1x16xf32, #tpu.memory_space<vmem>> -> memref<16xf32, #tpu.memory_space<vmem>>
        tpu.enqueue_dma source(%dma_start3A_269 : memref<16xf32, #tpu.memory_space<vmem>>) target(%dma_start3A_266 : memref<16xf32, #tpu.memory_space<hbm>>) target_semaphore(%run_scoped3A_260 : memref<!tpu.dma_semaphore, #tpu.memory_space<semaphore_mem>>)
        %dma_wait3A = arith.constant 0 : i32
        %dma_wait3A_270 = tpu.memref_slice %arg5[%run_scoped3A_244, %dma_wait3A] : memref<8x16xf32, #tpu.memory_space<vmem>> -> memref<1x16xf32, #tpu.memory_space<vmem>>
        %dma_wait3A_271 = tpu.memref_squeeze %dma_wait3A_270 : memref<1x16xf32, #tpu.memory_space<vmem>> -> memref<16xf32, #tpu.memory_space<vmem>>
        %dma_wait3A_272 = tpu.memref_slice %arg3[%run_scoped3A_245, %mul3A_4] : memref<8x128xf32, #tpu.memory_space<hbm>> -> memref<1x16xf32, #tpu.memory_space<hbm>>
        %dma_wait3A_273 = tpu.memref_squeeze %dma_wait3A_272 : memref<1x16xf32, #tpu.memory_space<hbm>> -> memref<16xf32, #tpu.memory_space<hbm>>
        %dma_wait3A_274 = tpu.memref_slice %arg3[%run_scoped3A_245, %mul3A_4] : memref<8x128xf32, #tpu.memory_space<hbm>> -> memref<1x16xf32, #tpu.memory_space<hbm>>
        %dma_wait3A_275 = tpu.memref_squeeze %dma_wait3A_274 : memref<1x16xf32, #tpu.memory_space<hbm>> -> memref<16xf32, #tpu.memory_space<hbm>>
        %dma_wait3A_276 = arith.constant 0 : i32
        %dma_wait3A_277 = tpu.memref_slice %arg5[%run_scoped3A_244, %dma_wait3A_276] : memref<8x16xf32, #tpu.memory_space<vmem>> -> memref<1x16xf32, #tpu.memory_space<vmem>>
        %dma_wait3A_278 = tpu.memref_squeeze %dma_wait3A_277 : memref<1x16xf32, #tpu.memory_space<vmem>> -> memref<16xf32, #tpu.memory_space<vmem>>
        tpu.wait_dma2 semaphore(%run_scoped3A_260 : memref<!tpu.dma_semaphore, #tpu.memory_space<semaphore_mem>>) src(%dma_wait3A_278 : memref<16xf32, #tpu.memory_space<vmem>>) dst(%dma_wait3A_275 : memref<16xf32, #tpu.memory_space<hbm>>)
        tpu.yield
      }) : () -> ()
      %run_scoped3A_246 = arith.constant 1 : i32
      %run_scoped3A_247 = arith.constant 1 : i32
      "tpu.region"() ({
        %run_scoped3A_260 = tpu.sem_alloc : memref<!tpu.dma_semaphore, #tpu.memory_space<semaphore_mem>>
        %dma_start3A = arith.constant 0 : i32
        %dma_start3A_261 = tpu.memref_slice %arg5[%run_scoped3A_246, %dma_start3A] : memref<8x16xf32, #tpu.memory_space<vmem>> -> memref<1x16xf32, #tpu.memory_space<vmem>>
        %dma_start3A_262 = tpu.memref_squeeze %dma_start3A_261 : memref<1x16xf32, #tpu.memory_space<vmem>> -> memref<16xf32, #tpu.memory_space<vmem>>
        %dma_start3A_263 = tpu.memref_slice %arg3[%run_scoped3A_247, %mul3A_4] : memref<8x128xf32, #tpu.memory_space<hbm>> -> memref<1x16xf32, #tpu.memory_space<hbm>>
        %dma_start3A_264 = tpu.memref_squeeze %dma_start3A_263 : memref<1x16xf32, #tpu.memory_space<hbm>> -> memref<16xf32, #tpu.memory_space<hbm>>
        %dma_start3A_265 = tpu.memref_slice %arg3[%run_scoped3A_247, %mul3A_4] : memref<8x128xf32, #tpu.memory_space<hbm>> -> memref<1x16xf32, #tpu.memory_space<hbm>>
        %dma_start3A_266 = tpu.memref_squeeze %dma_start3A_265 : memref<1x16xf32, #tpu.memory_space<hbm>> -> memref<16xf32, #tpu.memory_space<hbm>>
        %dma_start3A_267 = arith.constant 0 : i32
        %dma_start3A_268 = tpu.memref_slice %arg5[%run_scoped3A_246, %dma_start3A_267] : memref<8x16xf32, #tpu.memory_space<vmem>> -> memref<1x16xf32, #tpu.memory_space<vmem>>
        %dma_start3A_269 = tpu.memref_squeeze %dma_start3A_268 : memref<1x16xf32, #tpu.memory_space<vmem>> -> memref<16xf32, #tpu.memory_space<vmem>>
        tpu.enqueue_dma source(%dma_start3A_269 : memref<16xf32, #tpu.memory_space<vmem>>) target(%dma_start3A_266 : memref<16xf32, #tpu.memory_space<hbm>>) target_semaphore(%run_scoped3A_260 : memref<!tpu.dma_semaphore, #tpu.memory_space<semaphore_mem>>)
        %dma_wait3A = arith.constant 0 : i32
        %dma_wait3A_270 = tpu.memref_slice %arg5[%run_scoped3A_246, %dma_wait3A] : memref<8x16xf32, #tpu.memory_space<vmem>> -> memref<1x16xf32, #tpu.memory_space<vmem>>
        %dma_wait3A_271 = tpu.memref_squeeze %dma_wait3A_270 : memref<1x16xf32, #tpu.memory_space<vmem>> -> memref<16xf32, #tpu.memory_space<vmem>>
        %dma_wait3A_272 = tpu.memref_slice %arg3[%run_scoped3A_247, %mul3A_4] : memref<8x128xf32, #tpu.memory_space<hbm>> -> memref<1x16xf32, #tpu.memory_space<hbm>>
        %dma_wait3A_273 = tpu.memref_squeeze %dma_wait3A_272 : memref<1x16xf32, #tpu.memory_space<hbm>> -> memref<16xf32, #tpu.memory_space<hbm>>
        %dma_wait3A_274 = tpu.memref_slice %arg3[%run_scoped3A_247, %mul3A_4] : memref<8x128xf32, #tpu.memory_space<hbm>> -> memref<1x16xf32, #tpu.memory_space<hbm>>
        %dma_wait3A_275 = tpu.memref_squeeze %dma_wait3A_274 : memref<1x16xf32, #tpu.memory_space<hbm>> -> memref<16xf32, #tpu.memory_space<hbm>>
        %dma_wait3A_276 = arith.constant 0 : i32
        %dma_wait3A_277 = tpu.memref_slice %arg5[%run_scoped3A_246, %dma_wait3A_276] : memref<8x16xf32, #tpu.memory_space<vmem>> -> memref<1x16xf32, #tpu.memory_space<vmem>>
        %dma_wait3A_278 = tpu.memref_squeeze %dma_wait3A_277 : memref<1x16xf32, #tpu.memory_space<vmem>> -> memref<16xf32, #tpu.memory_space<vmem>>
        tpu.wait_dma2 semaphore(%run_scoped3A_260 : memref<!tpu.dma_semaphore, #tpu.memory_space<semaphore_mem>>) src(%dma_wait3A_278 : memref<16xf32, #tpu.memory_space<vmem>>) dst(%dma_wait3A_275 : memref<16xf32, #tpu.memory_space<hbm>>)
        tpu.yield
      }) : () -> ()
      %run_scoped3A_248 = arith.constant 2 : i32
      %run_scoped3A_249 = arith.constant 2 : i32
      "tpu.region"() ({
        %run_scoped3A_260 = tpu.sem_alloc : memref<!tpu.dma_semaphore, #tpu.memory_space<semaphore_mem>>
        %dma_start3A = arith.constant 0 : i32
        %dma_start3A_261 = tpu.memref_slice %arg5[%run_scoped3A_248, %dma_start3A] : memref<8x16xf32, #tpu.memory_space<vmem>> -> memref<1x16xf32, #tpu.memory_space<vmem>>
        %dma_start3A_262 = tpu.memref_squeeze %dma_start3A_261 : memref<1x16xf32, #tpu.memory_space<vmem>> -> memref<16xf32, #tpu.memory_space<vmem>>
        %dma_start3A_263 = tpu.memref_slice %arg3[%run_scoped3A_249, %mul3A_4] : memref<8x128xf32, #tpu.memory_space<hbm>> -> memref<1x16xf32, #tpu.memory_space<hbm>>
        %dma_start3A_264 = tpu.memref_squeeze %dma_start3A_263 : memref<1x16xf32, #tpu.memory_space<hbm>> -> memref<16xf32, #tpu.memory_space<hbm>>
        %dma_start3A_265 = tpu.memref_slice %arg3[%run_scoped3A_249, %mul3A_4] : memref<8x128xf32, #tpu.memory_space<hbm>> -> memref<1x16xf32, #tpu.memory_space<hbm>>
        %dma_start3A_266 = tpu.memref_squeeze %dma_start3A_265 : memref<1x16xf32, #tpu.memory_space<hbm>> -> memref<16xf32, #tpu.memory_space<hbm>>
        %dma_start3A_267 = arith.constant 0 : i32
        %dma_start3A_268 = tpu.memref_slice %arg5[%run_scoped3A_248, %dma_start3A_267] : memref<8x16xf32, #tpu.memory_space<vmem>> -> memref<1x16xf32, #tpu.memory_space<vmem>>
        %dma_start3A_269 = tpu.memref_squeeze %dma_start3A_268 : memref<1x16xf32, #tpu.memory_space<vmem>> -> memref<16xf32, #tpu.memory_space<vmem>>
        tpu.enqueue_dma source(%dma_start3A_269 : memref<16xf32, #tpu.memory_space<vmem>>) target(%dma_start3A_266 : memref<16xf32, #tpu.memory_space<hbm>>) target_semaphore(%run_scoped3A_260 : memref<!tpu.dma_semaphore, #tpu.memory_space<semaphore_mem>>)
        %dma_wait3A = arith.constant 0 : i32
        %dma_wait3A_270 = tpu.memref_slice %arg5[%run_scoped3A_248, %dma_wait3A] : memref<8x16xf32, #tpu.memory_space<vmem>> -> memref<1x16xf32, #tpu.memory_space<vmem>>
        %dma_wait3A_271 = tpu.memref_squeeze %dma_wait3A_270 : memref<1x16xf32, #tpu.memory_space<vmem>> -> memref<16xf32, #tpu.memory_space<vmem>>
        %dma_wait3A_272 = tpu.memref_slice %arg3[%run_scoped3A_249, %mul3A_4] : memref<8x128xf32, #tpu.memory_space<hbm>> -> memref<1x16xf32, #tpu.memory_space<hbm>>
        %dma_wait3A_273 = tpu.memref_squeeze %dma_wait3A_272 : memref<1x16xf32, #tpu.memory_space<hbm>> -> memref<16xf32, #tpu.memory_space<hbm>>
        %dma_wait3A_274 = tpu.memref_slice %arg3[%run_scoped3A_249, %mul3A_4] : memref<8x128xf32, #tpu.memory_space<hbm>> -> memref<1x16xf32, #tpu.memory_space<hbm>>
        %dma_wait3A_275 = tpu.memref_squeeze %dma_wait3A_274 : memref<1x16xf32, #tpu.memory_space<hbm>> -> memref<16xf32, #tpu.memory_space<hbm>>
        %dma_wait3A_276 = arith.constant 0 : i32
        %dma_wait3A_277 = tpu.memref_slice %arg5[%run_scoped3A_248, %dma_wait3A_276] : memref<8x16xf32, #tpu.memory_space<vmem>> -> memref<1x16xf32, #tpu.memory_space<vmem>>
        %dma_wait3A_278 = tpu.memref_squeeze %dma_wait3A_277 : memref<1x16xf32, #tpu.memory_space<vmem>> -> memref<16xf32, #tpu.memory_space<vmem>>
        tpu.wait_dma2 semaphore(%run_scoped3A_260 : memref<!tpu.dma_semaphore, #tpu.memory_space<semaphore_mem>>) src(%dma_wait3A_278 : memref<16xf32, #tpu.memory_space<vmem>>) dst(%dma_wait3A_275 : memref<16xf32, #tpu.memory_space<hbm>>)
        tpu.yield
      }) : () -> ()
      %run_scoped3A_250 = arith.constant 3 : i32
      %run_scoped3A_251 = arith.constant 3 : i32
      "tpu.region"() ({
        %run_scoped3A_260 = tpu.sem_alloc : memref<!tpu.dma_semaphore, #tpu.memory_space<semaphore_mem>>
        %dma_start3A = arith.constant 0 : i32
        %dma_start3A_261 = tpu.memref_slice %arg5[%run_scoped3A_250, %dma_start3A] : memref<8x16xf32, #tpu.memory_space<vmem>> -> memref<1x16xf32, #tpu.memory_space<vmem>>
        %dma_start3A_262 = tpu.memref_squeeze %dma_start3A_261 : memref<1x16xf32, #tpu.memory_space<vmem>> -> memref<16xf32, #tpu.memory_space<vmem>>
        %dma_start3A_263 = tpu.memref_slice %arg3[%run_scoped3A_251, %mul3A_4] : memref<8x128xf32, #tpu.memory_space<hbm>> -> memref<1x16xf32, #tpu.memory_space<hbm>>
        %dma_start3A_264 = tpu.memref_squeeze %dma_start3A_263 : memref<1x16xf32, #tpu.memory_space<hbm>> -> memref<16xf32, #tpu.memory_space<hbm>>
        %dma_start3A_265 = tpu.memref_slice %arg3[%run_scoped3A_251, %mul3A_4] : memref<8x128xf32, #tpu.memory_space<hbm>> -> memref<1x16xf32, #tpu.memory_space<hbm>>
        %dma_start3A_266 = tpu.memref_squeeze %dma_start3A_265 : memref<1x16xf32, #tpu.memory_space<hbm>> -> memref<16xf32, #tpu.memory_space<hbm>>
        %dma_start3A_267 = arith.constant 0 : i32
        %dma_start3A_268 = tpu.memref_slice %arg5[%run_scoped3A_250, %dma_start3A_267] : memref<8x16xf32, #tpu.memory_space<vmem>> -> memref<1x16xf32, #tpu.memory_space<vmem>>
        %dma_start3A_269 = tpu.memref_squeeze %dma_start3A_268 : memref<1x16xf32, #tpu.memory_space<vmem>> -> memref<16xf32, #tpu.memory_space<vmem>>
        tpu.enqueue_dma source(%dma_start3A_269 : memref<16xf32, #tpu.memory_space<vmem>>) target(%dma_start3A_266 : memref<16xf32, #tpu.memory_space<hbm>>) target_semaphore(%run_scoped3A_260 : memref<!tpu.dma_semaphore, #tpu.memory_space<semaphore_mem>>)
        %dma_wait3A = arith.constant 0 : i32
        %dma_wait3A_270 = tpu.memref_slice %arg5[%run_scoped3A_250, %dma_wait3A] : memref<8x16xf32, #tpu.memory_space<vmem>> -> memref<1x16xf32, #tpu.memory_space<vmem>>
        %dma_wait3A_271 = tpu.memref_squeeze %dma_wait3A_270 : memref<1x16xf32, #tpu.memory_space<vmem>> -> memref<16xf32, #tpu.memory_space<vmem>>
        %dma_wait3A_272 = tpu.memref_slice %arg3[%run_scoped3A_251, %mul3A_4] : memref<8x128xf32, #tpu.memory_space<hbm>> -> memref<1x16xf32, #tpu.memory_space<hbm>>
        %dma_wait3A_273 = tpu.memref_squeeze %dma_wait3A_272 : memref<1x16xf32, #tpu.memory_space<hbm>> -> memref<16xf32, #tpu.memory_space<hbm>>
        %dma_wait3A_274 = tpu.memref_slice %arg3[%run_scoped3A_251, %mul3A_4] : memref<8x128xf32, #tpu.memory_space<hbm>> -> memref<1x16xf32, #tpu.memory_space<hbm>>
        %dma_wait3A_275 = tpu.memref_squeeze %dma_wait3A_274 : memref<1x16xf32, #tpu.memory_space<hbm>> -> memref<16xf32, #tpu.memory_space<hbm>>
        %dma_wait3A_276 = arith.constant 0 : i32
        %dma_wait3A_277 = tpu.memref_slice %arg5[%run_scoped3A_250, %dma_wait3A_276] : memref<8x16xf32, #tpu.memory_space<vmem>> -> memref<1x16xf32, #tpu.memory_space<vmem>>
        %dma_wait3A_278 = tpu.memref_squeeze %dma_wait3A_277 : memref<1x16xf32, #tpu.memory_space<vmem>> -> memref<16xf32, #tpu.memory_space<vmem>>
        tpu.wait_dma2 semaphore(%run_scoped3A_260 : memref<!tpu.dma_semaphore, #tpu.memory_space<semaphore_mem>>) src(%dma_wait3A_278 : memref<16xf32, #tpu.memory_space<vmem>>) dst(%dma_wait3A_275 : memref<16xf32, #tpu.memory_space<hbm>>)
        tpu.yield
      }) : () -> ()
      %run_scoped3A_252 = arith.constant 4 : i32
      %run_scoped3A_253 = arith.constant 4 : i32
      "tpu.region"() ({
        %run_scoped3A_260 = tpu.sem_alloc : memref<!tpu.dma_semaphore, #tpu.memory_space<semaphore_mem>>
        %dma_start3A = arith.constant 0 : i32
        %dma_start3A_261 = tpu.memref_slice %arg5[%run_scoped3A_252, %dma_start3A] : memref<8x16xf32, #tpu.memory_space<vmem>> -> memref<1x16xf32, #tpu.memory_space<vmem>>
        %dma_start3A_262 = tpu.memref_squeeze %dma_start3A_261 : memref<1x16xf32, #tpu.memory_space<vmem>> -> memref<16xf32, #tpu.memory_space<vmem>>
        %dma_start3A_263 = tpu.memref_slice %arg3[%run_scoped3A_253, %mul3A_4] : memref<8x128xf32, #tpu.memory_space<hbm>> -> memref<1x16xf32, #tpu.memory_space<hbm>>
        %dma_start3A_264 = tpu.memref_squeeze %dma_start3A_263 : memref<1x16xf32, #tpu.memory_space<hbm>> -> memref<16xf32, #tpu.memory_space<hbm>>
        %dma_start3A_265 = tpu.memref_slice %arg3[%run_scoped3A_253, %mul3A_4] : memref<8x128xf32, #tpu.memory_space<hbm>> -> memref<1x16xf32, #tpu.memory_space<hbm>>
        %dma_start3A_266 = tpu.memref_squeeze %dma_start3A_265 : memref<1x16xf32, #tpu.memory_space<hbm>> -> memref<16xf32, #tpu.memory_space<hbm>>
        %dma_start3A_267 = arith.constant 0 : i32
        %dma_start3A_268 = tpu.memref_slice %arg5[%run_scoped3A_252, %dma_start3A_267] : memref<8x16xf32, #tpu.memory_space<vmem>> -> memref<1x16xf32, #tpu.memory_space<vmem>>
        %dma_start3A_269 = tpu.memref_squeeze %dma_start3A_268 : memref<1x16xf32, #tpu.memory_space<vmem>> -> memref<16xf32, #tpu.memory_space<vmem>>
        tpu.enqueue_dma source(%dma_start3A_269 : memref<16xf32, #tpu.memory_space<vmem>>) target(%dma_start3A_266 : memref<16xf32, #tpu.memory_space<hbm>>) target_semaphore(%run_scoped3A_260 : memref<!tpu.dma_semaphore, #tpu.memory_space<semaphore_mem>>)
        %dma_wait3A = arith.constant 0 : i32
        %dma_wait3A_270 = tpu.memref_slice %arg5[%run_scoped3A_252, %dma_wait3A] : memref<8x16xf32, #tpu.memory_space<vmem>> -> memref<1x16xf32, #tpu.memory_space<vmem>>
        %dma_wait3A_271 = tpu.memref_squeeze %dma_wait3A_270 : memref<1x16xf32, #tpu.memory_space<vmem>> -> memref<16xf32, #tpu.memory_space<vmem>>
        %dma_wait3A_272 = tpu.memref_slice %arg3[%run_scoped3A_253, %mul3A_4] : memref<8x128xf32, #tpu.memory_space<hbm>> -> memref<1x16xf32, #tpu.memory_space<hbm>>
        %dma_wait3A_273 = tpu.memref_squeeze %dma_wait3A_272 : memref<1x16xf32, #tpu.memory_space<hbm>> -> memref<16xf32, #tpu.memory_space<hbm>>
        %dma_wait3A_274 = tpu.memref_slice %arg3[%run_scoped3A_253, %mul3A_4] : memref<8x128xf32, #tpu.memory_space<hbm>> -> memref<1x16xf32, #tpu.memory_space<hbm>>
        %dma_wait3A_275 = tpu.memref_squeeze %dma_wait3A_274 : memref<1x16xf32, #tpu.memory_space<hbm>> -> memref<16xf32, #tpu.memory_space<hbm>>
        %dma_wait3A_276 = arith.constant 0 : i32
        %dma_wait3A_277 = tpu.memref_slice %arg5[%run_scoped3A_252, %dma_wait3A_276] : memref<8x16xf32, #tpu.memory_space<vmem>> -> memref<1x16xf32, #tpu.memory_space<vmem>>
        %dma_wait3A_278 = tpu.memref_squeeze %dma_wait3A_277 : memref<1x16xf32, #tpu.memory_space<vmem>> -> memref<16xf32, #tpu.memory_space<vmem>>
        tpu.wait_dma2 semaphore(%run_scoped3A_260 : memref<!tpu.dma_semaphore, #tpu.memory_space<semaphore_mem>>) src(%dma_wait3A_278 : memref<16xf32, #tpu.memory_space<vmem>>) dst(%dma_wait3A_275 : memref<16xf32, #tpu.memory_space<hbm>>)
        tpu.yield
      }) : () -> ()
      %run_scoped3A_254 = arith.constant 5 : i32
      %run_scoped3A_255 = arith.constant 5 : i32
      "tpu.region"() ({
        %run_scoped3A_260 = tpu.sem_alloc : memref<!tpu.dma_semaphore, #tpu.memory_space<semaphore_mem>>
        %dma_start3A = arith.constant 0 : i32
        %dma_start3A_261 = tpu.memref_slice %arg5[%run_scoped3A_254, %dma_start3A] : memref<8x16xf32, #tpu.memory_space<vmem>> -> memref<1x16xf32, #tpu.memory_space<vmem>>
        %dma_start3A_262 = tpu.memref_squeeze %dma_start3A_261 : memref<1x16xf32, #tpu.memory_space<vmem>> -> memref<16xf32, #tpu.memory_space<vmem>>
        %dma_start3A_263 = tpu.memref_slice %arg3[%run_scoped3A_255, %mul3A_4] : memref<8x128xf32, #tpu.memory_space<hbm>> -> memref<1x16xf32, #tpu.memory_space<hbm>>
        %dma_start3A_264 = tpu.memref_squeeze %dma_start3A_263 : memref<1x16xf32, #tpu.memory_space<hbm>> -> memref<16xf32, #tpu.memory_space<hbm>>
        %dma_start3A_265 = tpu.memref_slice %arg3[%run_scoped3A_255, %mul3A_4] : memref<8x128xf32, #tpu.memory_space<hbm>> -> memref<1x16xf32, #tpu.memory_space<hbm>>
        %dma_start3A_266 = tpu.memref_squeeze %dma_start3A_265 : memref<1x16xf32, #tpu.memory_space<hbm>> -> memref<16xf32, #tpu.memory_space<hbm>>
        %dma_start3A_267 = arith.constant 0 : i32
        %dma_start3A_268 = tpu.memref_slice %arg5[%run_scoped3A_254, %dma_start3A_267] : memref<8x16xf32, #tpu.memory_space<vmem>> -> memref<1x16xf32, #tpu.memory_space<vmem>>
        %dma_start3A_269 = tpu.memref_squeeze %dma_start3A_268 : memref<1x16xf32, #tpu.memory_space<vmem>> -> memref<16xf32, #tpu.memory_space<vmem>>
        tpu.enqueue_dma source(%dma_start3A_269 : memref<16xf32, #tpu.memory_space<vmem>>) target(%dma_start3A_266 : memref<16xf32, #tpu.memory_space<hbm>>) target_semaphore(%run_scoped3A_260 : memref<!tpu.dma_semaphore, #tpu.memory_space<semaphore_mem>>)
        %dma_wait3A = arith.constant 0 : i32
        %dma_wait3A_270 = tpu.memref_slice %arg5[%run_scoped3A_254, %dma_wait3A] : memref<8x16xf32, #tpu.memory_space<vmem>> -> memref<1x16xf32, #tpu.memory_space<vmem>>
        %dma_wait3A_271 = tpu.memref_squeeze %dma_wait3A_270 : memref<1x16xf32, #tpu.memory_space<vmem>> -> memref<16xf32, #tpu.memory_space<vmem>>
        %dma_wait3A_272 = tpu.memref_slice %arg3[%run_scoped3A_255, %mul3A_4] : memref<8x128xf32, #tpu.memory_space<hbm>> -> memref<1x16xf32, #tpu.memory_space<hbm>>
        %dma_wait3A_273 = tpu.memref_squeeze %dma_wait3A_272 : memref<1x16xf32, #tpu.memory_space<hbm>> -> memref<16xf32, #tpu.memory_space<hbm>>
        %dma_wait3A_274 = tpu.memref_slice %arg3[%run_scoped3A_255, %mul3A_4] : memref<8x128xf32, #tpu.memory_space<hbm>> -> memref<1x16xf32, #tpu.memory_space<hbm>>
        %dma_wait3A_275 = tpu.memref_squeeze %dma_wait3A_274 : memref<1x16xf32, #tpu.memory_space<hbm>> -> memref<16xf32, #tpu.memory_space<hbm>>
        %dma_wait3A_276 = arith.constant 0 : i32
        %dma_wait3A_277 = tpu.memref_slice %arg5[%run_scoped3A_254, %dma_wait3A_276] : memref<8x16xf32, #tpu.memory_space<vmem>> -> memref<1x16xf32, #tpu.memory_space<vmem>>
        %dma_wait3A_278 = tpu.memref_squeeze %dma_wait3A_277 : memref<1x16xf32, #tpu.memory_space<vmem>> -> memref<16xf32, #tpu.memory_space<vmem>>
        tpu.wait_dma2 semaphore(%run_scoped3A_260 : memref<!tpu.dma_semaphore, #tpu.memory_space<semaphore_mem>>) src(%dma_wait3A_278 : memref<16xf32, #tpu.memory_space<vmem>>) dst(%dma_wait3A_275 : memref<16xf32, #tpu.memory_space<hbm>>)
        tpu.yield
      }) : () -> ()
      %run_scoped3A_256 = arith.constant 6 : i32
      %run_scoped3A_257 = arith.constant 6 : i32
      "tpu.region"() ({
        %run_scoped3A_260 = tpu.sem_alloc : memref<!tpu.dma_semaphore, #tpu.memory_space<semaphore_mem>>
        %dma_start3A = arith.constant 0 : i32
        %dma_start3A_261 = tpu.memref_slice %arg5[%run_scoped3A_256, %dma_start3A] : memref<8x16xf32, #tpu.memory_space<vmem>> -> memref<1x16xf32, #tpu.memory_space<vmem>>
        %dma_start3A_262 = tpu.memref_squeeze %dma_start3A_261 : memref<1x16xf32, #tpu.memory_space<vmem>> -> memref<16xf32, #tpu.memory_space<vmem>>
        %dma_start3A_263 = tpu.memref_slice %arg3[%run_scoped3A_257, %mul3A_4] : memref<8x128xf32, #tpu.memory_space<hbm>> -> memref<1x16xf32, #tpu.memory_space<hbm>>
        %dma_start3A_264 = tpu.memref_squeeze %dma_start3A_263 : memref<1x16xf32, #tpu.memory_space<hbm>> -> memref<16xf32, #tpu.memory_space<hbm>>
        %dma_start3A_265 = tpu.memref_slice %arg3[%run_scoped3A_257, %mul3A_4] : memref<8x128xf32, #tpu.memory_space<hbm>> -> memref<1x16xf32, #tpu.memory_space<hbm>>
        %dma_start3A_266 = tpu.memref_squeeze %dma_start3A_265 : memref<1x16xf32, #tpu.memory_space<hbm>> -> memref<16xf32, #tpu.memory_space<hbm>>
        %dma_start3A_267 = arith.constant 0 : i32
        %dma_start3A_268 = tpu.memref_slice %arg5[%run_scoped3A_256, %dma_start3A_267] : memref<8x16xf32, #tpu.memory_space<vmem>> -> memref<1x16xf32, #tpu.memory_space<vmem>>
        %dma_start3A_269 = tpu.memref_squeeze %dma_start3A_268 : memref<1x16xf32, #tpu.memory_space<vmem>> -> memref<16xf32, #tpu.memory_space<vmem>>
        tpu.enqueue_dma source(%dma_start3A_269 : memref<16xf32, #tpu.memory_space<vmem>>) target(%dma_start3A_266 : memref<16xf32, #tpu.memory_space<hbm>>) target_semaphore(%run_scoped3A_260 : memref<!tpu.dma_semaphore, #tpu.memory_space<semaphore_mem>>)
        %dma_wait3A = arith.constant 0 : i32
        %dma_wait3A_270 = tpu.memref_slice %arg5[%run_scoped3A_256, %dma_wait3A] : memref<8x16xf32, #tpu.memory_space<vmem>> -> memref<1x16xf32, #tpu.memory_space<vmem>>
        %dma_wait3A_271 = tpu.memref_squeeze %dma_wait3A_270 : memref<1x16xf32, #tpu.memory_space<vmem>> -> memref<16xf32, #tpu.memory_space<vmem>>
        %dma_wait3A_272 = tpu.memref_slice %arg3[%run_scoped3A_257, %mul3A_4] : memref<8x128xf32, #tpu.memory_space<hbm>> -> memref<1x16xf32, #tpu.memory_space<hbm>>
        %dma_wait3A_273 = tpu.memref_squeeze %dma_wait3A_272 : memref<1x16xf32, #tpu.memory_space<hbm>> -> memref<16xf32, #tpu.memory_space<hbm>>
        %dma_wait3A_274 = tpu.memref_slice %arg3[%run_scoped3A_257, %mul3A_4] : memref<8x128xf32, #tpu.memory_space<hbm>> -> memref<1x16xf32, #tpu.memory_space<hbm>>
        %dma_wait3A_275 = tpu.memref_squeeze %dma_wait3A_274 : memref<1x16xf32, #tpu.memory_space<hbm>> -> memref<16xf32, #tpu.memory_space<hbm>>
        %dma_wait3A_276 = arith.constant 0 : i32
        %dma_wait3A_277 = tpu.memref_slice %arg5[%run_scoped3A_256, %dma_wait3A_276] : memref<8x16xf32, #tpu.memory_space<vmem>> -> memref<1x16xf32, #tpu.memory_space<vmem>>
        %dma_wait3A_278 = tpu.memref_squeeze %dma_wait3A_277 : memref<1x16xf32, #tpu.memory_space<vmem>> -> memref<16xf32, #tpu.memory_space<vmem>>
        tpu.wait_dma2 semaphore(%run_scoped3A_260 : memref<!tpu.dma_semaphore, #tpu.memory_space<semaphore_mem>>) src(%dma_wait3A_278 : memref<16xf32, #tpu.memory_space<vmem>>) dst(%dma_wait3A_275 : memref<16xf32, #tpu.memory_space<hbm>>)
        tpu.yield
      }) : () -> ()
      %run_scoped3A_258 = arith.constant 7 : i32
      %run_scoped3A_259 = arith.constant 7 : i32
      "tpu.region"() ({
        %run_scoped3A_260 = tpu.sem_alloc : memref<!tpu.dma_semaphore, #tpu.memory_space<semaphore_mem>>
        %dma_start3A = arith.constant 0 : i32
        %dma_start3A_261 = tpu.memref_slice %arg5[%run_scoped3A_258, %dma_start3A] : memref<8x16xf32, #tpu.memory_space<vmem>> -> memref<1x16xf32, #tpu.memory_space<vmem>>
        %dma_start3A_262 = tpu.memref_squeeze %dma_start3A_261 : memref<1x16xf32, #tpu.memory_space<vmem>> -> memref<16xf32, #tpu.memory_space<vmem>>
        %dma_start3A_263 = tpu.memref_slice %arg3[%run_scoped3A_259, %mul3A_4] : memref<8x128xf32, #tpu.memory_space<hbm>> -> memref<1x16xf32, #tpu.memory_space<hbm>>
        %dma_start3A_264 = tpu.memref_squeeze %dma_start3A_263 : memref<1x16xf32, #tpu.memory_space<hbm>> -> memref<16xf32, #tpu.memory_space<hbm>>
        %dma_start3A_265 = tpu.memref_slice %arg3[%run_scoped3A_259, %mul3A_4] : memref<8x128xf32, #tpu.memory_space<hbm>> -> memref<1x16xf32, #tpu.memory_space<hbm>>
        %dma_start3A_266 = tpu.memref_squeeze %dma_start3A_265 : memref<1x16xf32, #tpu.memory_space<hbm>> -> memref<16xf32, #tpu.memory_space<hbm>>
        %dma_start3A_267 = arith.constant 0 : i32
        %dma_start3A_268 = tpu.memref_slice %arg5[%run_scoped3A_258, %dma_start3A_267] : memref<8x16xf32, #tpu.memory_space<vmem>> -> memref<1x16xf32, #tpu.memory_space<vmem>>
        %dma_start3A_269 = tpu.memref_squeeze %dma_start3A_268 : memref<1x16xf32, #tpu.memory_space<vmem>> -> memref<16xf32, #tpu.memory_space<vmem>>
        tpu.enqueue_dma source(%dma_start3A_269 : memref<16xf32, #tpu.memory_space<vmem>>) target(%dma_start3A_266 : memref<16xf32, #tpu.memory_space<hbm>>) target_semaphore(%run_scoped3A_260 : memref<!tpu.dma_semaphore, #tpu.memory_space<semaphore_mem>>)
        %dma_wait3A = arith.constant 0 : i32
        %dma_wait3A_270 = tpu.memref_slice %arg5[%run_scoped3A_258, %dma_wait3A] : memref<8x16xf32, #tpu.memory_space<vmem>> -> memref<1x16xf32, #tpu.memory_space<vmem>>
        %dma_wait3A_271 = tpu.memref_squeeze %dma_wait3A_270 : memref<1x16xf32, #tpu.memory_space<vmem>> -> memref<16xf32, #tpu.memory_space<vmem>>
        %dma_wait3A_272 = tpu.memref_slice %arg3[%run_scoped3A_259, %mul3A_4] : memref<8x128xf32, #tpu.memory_space<hbm>> -> memref<1x16xf32, #tpu.memory_space<hbm>>
        %dma_wait3A_273 = tpu.memref_squeeze %dma_wait3A_272 : memref<1x16xf32, #tpu.memory_space<hbm>> -> memref<16xf32, #tpu.memory_space<hbm>>
        %dma_wait3A_274 = tpu.memref_slice %arg3[%run_scoped3A_259, %mul3A_4] : memref<8x128xf32, #tpu.memory_space<hbm>> -> memref<1x16xf32, #tpu.memory_space<hbm>>
        %dma_wait3A_275 = tpu.memref_squeeze %dma_wait3A_274 : memref<1x16xf32, #tpu.memory_space<hbm>> -> memref<16xf32, #tpu.memory_space<hbm>>
        %dma_wait3A_276 = arith.constant 0 : i32
        %dma_wait3A_277 = tpu.memref_slice %arg5[%run_scoped3A_258, %dma_wait3A_276] : memref<8x16xf32, #tpu.memory_space<vmem>> -> memref<1x16xf32, #tpu.memory_space<vmem>>
        %dma_wait3A_278 = tpu.memref_squeeze %dma_wait3A_277 : memref<1x16xf32, #tpu.memory_space<vmem>> -> memref<16xf32, #tpu.memory_space<vmem>>
        tpu.wait_dma2 semaphore(%run_scoped3A_260 : memref<!tpu.dma_semaphore, #tpu.memory_space<semaphore_mem>>) src(%dma_wait3A_278 : memref<16xf32, #tpu.memory_space<vmem>>) dst(%dma_wait3A_275 : memref<16xf32, #tpu.memory_space<hbm>>)
        tpu.yield
      }) : () -> ()
    } else {
    }
    return
  }
}

module attributes {stable_mosaic.version = 14 : i64} {
  func.func @_logits_kernel(%arg0: memref<128x2048xf32, #tpu.memory_space<vmem>>, %arg1: memref<2048x8xf32, #tpu.memory_space<vmem>>, %arg2: memref<8x128xf32, #tpu.memory_space<vmem>>) attributes {dimension_semantics = [], scalar_prefetch = 0 : i64, scratch_operands = 0 : i64, tpu.core_type = #tpu.core_type<tc>} {
    %get3A = arith.constant 0 : index
    %get3A_0 = arith.constant 0 : index
    %get3A_1 = vector.load %arg0[%get3A, %get3A_0] : memref<128x2048xf32, #tpu.memory_space<vmem>>, vector<128x2048xf32>
    %get3A_2 = arith.constant 0 : index
    %get3A_3 = arith.constant 0 : index
    %get3A_4 = vector.load %arg1[%get3A_2, %get3A_3] : memref<2048x8xf32, #tpu.memory_space<vmem>>, vector<2048x8xf32>
    %dot_general3A = arith.constant dense<0.000000e+00> : vector<128x8xf32>
    %dot_general3A_5 = tpu.matmul %get3A_1, %get3A_4, %dot_general3A {dimension_numbers = #tpu.dot_dimension_numbers<[1], [0], [0], [1], [0, 0, 1, 1], [], []>, transpose_lhs_hint = false} : vector<128x2048xf32>, vector<2048x8xf32>, vector<128x8xf32> -> vector<128x8xf32>
    %transpose3A = tpu.transpose %dot_general3A_5, [1, 0] : vector<128x8xf32> -> vector<8x128xf32>
    %swap3A = arith.constant 0 : index
    %swap3A_6 = arith.constant 0 : index
    %swap3A_7 = vector.load %arg2[%swap3A, %swap3A_6] : memref<8x128xf32, #tpu.memory_space<vmem>>, vector<8x128xf32>
    tpu.vector_store %arg2[%swap3A, %swap3A_6], %transpose3A {strides = array<i32>} : memref<8x128xf32, #tpu.memory_space<vmem>>, vector<8x128xf32>,
    return
  }
}

module attributes {stable_mosaic.version = 14 : i64} {
  func.func @_moe_kernel(%arg0: i32, %arg1: i32, %arg2: memref<128x2048xf32, #tpu.memory_space<vmem>>, %arg3: memref<8x128xf32, #tpu.memory_space<vmem>>, %arg4: memref<1x2048x512xf32, #tpu.memory_space<vmem>>, %arg5: memref<1x512x2048xf32, #tpu.memory_space<vmem>>, %arg6: memref<128x2048xf32, #tpu.memory_space<vmem>>, %arg7: memref<128x8xf32, #tpu.memory_space<vmem>>) attributes {dimension_semantics = [#tpu.dimension_semantics<arbitrary>, #tpu.dimension_semantics<arbitrary>], iteration_bounds = array<i64: 8, 8>, scalar_prefetch = 0 : i64, scratch_operands = 1 : i64, tpu.core_type = #tpu.core_type<tc>, window_params = [{pipeline_mode = #tpu.pipeline_mode<synchronous>, transform_indices = @transform_0, window_bounds = array<i64: 128, 2048>}, {pipeline_mode = #tpu.pipeline_mode<synchronous>, transform_indices = @transform_1, window_bounds = array<i64: 8, 128>}, {transform_indices = @transform_2, window_bounds = array<i64: 1, 2048, 512>}, {transform_indices = @transform_3, window_bounds = array<i64: 1, 512, 2048>}, {pipeline_mode = #tpu.pipeline_mode<synchronous>, transform_indices = @transform_4, window_bounds = array<i64: 128, 2048>}]} {
    %eq3A = arith.constant 0 : i32
    %eq3A_0 = arith.cmpi eq, %arg0, %eq3A : i32
    %eq3A_1 = arith.constant 0 : i32
    %eq3A_2 = arith.cmpi eq, %arg1, %eq3A_1 : i32
    %and3A = arith.andi %eq3A_0, %eq3A_2 : i1
    %convert_element_type3A = arith.extui %and3A : i1 to i32
    %cond3A = arith.constant 0 : i32
    %cond3A_3 = arith.cmpi ne, %convert_element_type3A, %cond3A : i32
    scf.if %cond3A_3 {
      %get3A_42 = arith.constant 0 : index
      %get3A_43 = arith.constant 0 : index
      %get3A_44 = vector.load %arg3[%get3A_42, %get3A_43] : memref<8x128xf32, #tpu.memory_space<vmem>>, vector<8x128xf32>
      %transpose3A = tpu.transpose %get3A_44, [1, 0] : vector<8x128xf32> -> vector<128x8xf32>
      %swap3A_45 = arith.constant 0 : index
      %swap3A_46 = arith.constant 0 : index
      %swap3A_47 = vector.load %arg7[%swap3A_45, %swap3A_46] : memref<128x8xf32, #tpu.memory_space<vmem>>, vector<128x8xf32>
      tpu.vector_store %arg7[%swap3A_45, %swap3A_46], %transpose3A {strides = array<i32>} : memref<128x8xf32, #tpu.memory_space<vmem>>, vector<128x8xf32>,
      %broadcast_in_dim3A_48 = arith.constant 0.000000e+00 : f32
      %broadcast_in_dim3A_49 = vector.broadcast %broadcast_in_dim3A_48 : f32 to vector<128x2048xf32>
      %swap3A_50 = arith.constant 0 : index
      %swap3A_51 = arith.constant 0 : index
      %swap3A_52 = vector.load %arg6[%swap3A_50, %swap3A_51] : memref<128x2048xf32, #tpu.memory_space<vmem>>, vector<128x2048xf32>
      tpu.vector_store %arg6[%swap3A_50, %swap3A_51], %broadcast_in_dim3A_49 {strides = array<i32>} : memref<128x2048xf32, #tpu.memory_space<vmem>>, vector<128x2048xf32>,
    } else {
    }
    %get3A = arith.constant 0 : index
    %get3A_4 = arith.constant 0 : index
    %get3A_5 = vector.load %arg7[%get3A, %get3A_4] : memref<128x8xf32, #tpu.memory_space<vmem>>, vector<128x8xf32>
    %iota3A = tpu.iota {dimensions = array<i32: 1>} : vector<128x8xi32>
    %eq3A_6 = vector.broadcast %arg0 : i32 to vector<128x8xi32>
    %eq3A_7 = arith.cmpi eq, %iota3A, %eq3A_6 : vector<128x8xi32>
    %jit3A = arith.constant 0.000000e+00 : f32
    %broadcast_in_dim3A = vector.broadcast %jit3A : f32 to vector<128x8xf32>
    %select_n3A = arith.select %eq3A_7, %get3A_5, %broadcast_in_dim3A : vector<128x8xi1>, vector<128x8xf32>
    %reduce_sum3A = arith.constant dense<0.000000e+00> : vector<128xf32>
    %reduce_sum3A_8 = vector.multi_reduction <add>, %select_n3A, %reduce_sum3A [1] : vector<128x8xf32> to vector<128xf32>
    %broadcast_in_dim3A_9 = vector.shape_cast %reduce_sum3A_8 : vector<128xf32> to vector<128x1xf32>
    %get3A_10 = arith.constant 0 : index
    %get3A_11 = arith.constant 0 : index
    %get3A_12 = vector.load %arg2[%get3A_10, %get3A_11] : memref<128x2048xf32, #tpu.memory_space<vmem>>, vector<128x2048xf32>
    %convert_element_type3A_13 = arith.truncf %get3A_12 : vector<128x2048xf32> to vector<128x2048xbf16>
    %get3A_14 = arith.constant 0 : index
    %get3A_15 = arith.constant 0 : index
    %get3A_16 = arith.constant 0 : index
    %get3A_17 = vector.load %arg4[%get3A_14, %get3A_15, %get3A_16] : memref<1x2048x512xf32, #tpu.memory_space<vmem>>, vector<1x2048x512xf32>
    %get3A_18 = vector.shape_cast %get3A_17 : vector<1x2048x512xf32> to vector<2048x512xf32>
    %convert_element_type3A_19 = arith.truncf %get3A_18 : vector<2048x512xf32> to vector<2048x512xbf16>
    %dot_general3A = arith.constant dense<0.000000e+00> : vector<128x512xf32>
    %dot_general3A_20 = tpu.matmul %convert_element_type3A_13, %convert_element_type3A_19, %dot_general3A {dimension_numbers = #tpu.dot_dimension_numbers<[1], [0], [0], [1], [0, 0, 1, 1], [], []>, transpose_lhs_hint = false} : vector<128x2048xbf16>, vector<2048x512xbf16>, vector<128x512xf32> -> vector<128x512xf32>
    %logistic3A = arith.negf %dot_general3A_20 : vector<128x512xf32>
    %logistic3A_21 = math.exp %logistic3A : vector<128x512xf32>
    %logistic3A_22 = arith.constant 1.000000e+00 : f32
    %logistic3A_23 = vector.broadcast %logistic3A_22 : f32 to vector<128x512xf32>
    %logistic3A_24 = arith.addf %logistic3A_23, %logistic3A_21 : vector<128x512xf32>
    %logistic3A_25 = arith.divf %logistic3A_23, %logistic3A_24 : vector<128x512xf32>
    %mul3A = arith.mulf %dot_general3A_20, %logistic3A_25 : vector<128x512xf32>
    %mul3A_26 = vector.broadcast %broadcast_in_dim3A_9 : vector<128x1xf32> to vector<128x512xf32>
    %mul3A_27 = arith.mulf %mul3A, %mul3A_26 : vector<128x512xf32>
    %get3A_28 = arith.constant 0 : index
    %get3A_29 = arith.constant 0 : index
    %get3A_30 = vector.load %arg6[%get3A_28, %get3A_29] : memref<128x2048xf32, #tpu.memory_space<vmem>>, vector<128x2048xf32>
    %convert_element_type3A_31 = arith.truncf %mul3A_27 : vector<128x512xf32> to vector<128x512xbf16>
    %get3A_32 = arith.constant 0 : index
    %get3A_33 = arith.constant 0 : index
    %get3A_34 = arith.constant 0 : index
    %get3A_35 = vector.load %arg5[%get3A_32, %get3A_33, %get3A_34] : memref<1x512x2048xf32, #tpu.memory_space<vmem>>, vector<1x512x2048xf32>
    %get3A_36 = vector.shape_cast %get3A_35 : vector<1x512x2048xf32> to vector<512x2048xf32>
    %convert_element_type3A_37 = arith.truncf %get3A_36 : vector<512x2048xf32> to vector<512x2048xbf16>
    %dot_general3A_38 = arith.constant dense<0.000000e+00> : vector<128x2048xf32>
    %dot_general3A_39 = tpu.matmul %convert_element_type3A_31, %convert_element_type3A_37, %dot_general3A_38 {dimension_numbers = #tpu.dot_dimension_numbers<[1], [0], [0], [1], [0, 0, 1, 1], [], []>, transpose_lhs_hint = false} : vector<128x512xbf16>, vector<512x2048xbf16>, vector<128x2048xf32> -> vector<128x2048xf32>
    %add3A = arith.addf %get3A_30, %dot_general3A_39 : vector<128x2048xf32>
    %swap3A = arith.constant 0 : index
    %swap3A_40 = arith.constant 0 : index
    %swap3A_41 = vector.load %arg6[%swap3A, %swap3A_40] : memref<128x2048xf32, #tpu.memory_space<vmem>>, vector<128x2048xf32>
    tpu.vector_store %arg6[%swap3A, %swap3A_40], %add3A {strides = array<i32>} : memref<128x2048xf32, #tpu.memory_space<vmem>>, vector<128x2048xf32>,
    return
  }
  func.func @transform_0(%arg0: i32, %arg1: i32) -> (i32, i32) {
    %c0_i32 = arith.constant 0 : i32
    %c0_i32_0 = arith.constant 0 : i32
    %c0_i32_1 = arith.constant 0 : i32
    return %c0_i32, %c0_i32_0 : i32, i32
  }
  func.func @transform_1(%arg0: i32, %arg1: i32) -> (i32, i32) {
    %c0_i32 = arith.constant 0 : i32
    %c0_i32_0 = arith.constant 0 : i32
    %c0_i32_1 = arith.constant 0 : i32
    return %c0_i32, %c0_i32_0 : i32, i32
  }
  func.func @transform_2(%arg0: i32, %arg1: i32) -> (i32, i32, i32) {
    %c0_i32 = arith.constant 0 : i32
    %c0_i32_0 = arith.constant 0 : i32
    return %arg0, %c0_i32, %arg1 : i32, i32, i32
  }
  func.func @transform_3(%arg0: i32, %arg1: i32) -> (i32, i32, i32) {
    %c0_i32 = arith.constant 0 : i32
    %c0_i32_0 = arith.constant 0 : i32
    return %arg0, %arg1, %c0_i32 : i32, i32, i32
  }
  func.func @transform_4(%arg0: i32, %arg1: i32) -> (i32, i32) {
    %c0_i32 = arith.constant 0 : i32
    %c0_i32_0 = arith.constant 0 : i32
    %c0_i32_1 = arith.constant 0 : i32
    return %c0_i32, %c0_i32_0 : i32, i32
  }
}

</mosaic_0001>

<sc_bundles>
// kernel: kernel.5.cloned.1.call-start
scs
__scs_entry_jumppad:
0x0: {  	(pc) =	sbr.rel $0x88, $3  }
0x1: {  	(tag) =	ssettag $0x0;
	lr =	simm.s32 $0x1  }
0x2: {  	[smem:$0x3F9D] =	sst lr;
	_ =	strace $0xD0000000  }
0x3: {  	_ = 	snop  }
0x4: {  	_ = 	snop  }
0x5: {  	_ = 	snop  }
0x6: {  	_ = 	snop  }
0x7: {  	_ = 	snop  }
__scs_overlays_trampoline_lowered:
0x8: {  	[smem:$0x3FAC] =	sst s0  }
0x9: {  	[smem:$0x3FAD] =	sst s1  }
0xa: {  	[smem:$0x3FAE] =	sst s2  }
0xb: {  	[smem:$0x3FAF] =	sst s3  }
0xc: {  	[smem:$0x3FB0] =	sst s4  }
0xd: {  	[smem:$0x3FB1] =	sst s5  }
0xe: {  	[smem:$0x3FB2] =	sst s6  }
0xf: {  	[smem:$0x3FB3] =	sst s7  }
0x10: {  	[smem:$0x3FB4] =	sst s8  }
0x11: {  	[smem:$0x3FB5] =	sst s9;
	s0 =	simm.s32 @!p0 $0x0  }
0x12: {  	s1 =	sld [smem:$0x3F9B];
	s0 =	simm.s32 @p0 $0x1  }
0x13: {  	[smem:$0x3FB6] =	sst s0;
	s0 =	simm.s32 @!p1 $0x0  }
0x14: {  	s2 =	sld [smem:$0x3F9A];
	s0 =	simm.s32 @p1 $0x1  }
0x15: {  	[smem:$0x3FB7] =	sst s0;
	s0 =	simm.s32 @!p2 $0x0  }
0x16: {  	s3 =	sld [smem:$0x3FDB];
	s0 =	simm.s32 @p2 $0x1  }
0x17: {  	s4 =	simm.s32 $0x1BF5;
	[smem:$0x3FB9] =	sst s0  }
0x18: {  	s0 =	sld [smem:$0x3F9C];
	_ =	swait.ge [sflag:s4], $0x0  }
0x19: {  	s7 =	sld [smem:$0x3F9D]  }
0x1a: {  	s8 =	sadd.s32 $0xFFFFE003, lr  }
0x1b: {  	s9 =	sadd.s32 $0xFFFFFEF7, lr;
	s5 =	simm.s32 $0xFFFFFFFF;
	p2 =	slt.u32 s8, $0xFFFFF086  }
0x1c: {  	p1 =	slt.u32 s9, $0xF7A;
	s5 =	simm.s32 @!p2 $0x0  }
0x1d: {  	s5 =	simm.s32 @p1 $0x1;
	p0 =	seq.s32 s7, s2  }
0x1e: {  	s7 =	smul.u32 @!p0 $0xF7A, s2;
	p2 =	seq.s32 @!p0 s5, $0x0  }
0x1f: {  	s9 =	smul.u32 $0xF7A, s1;
	s8 =	simm.s32 @!p0 $0x1BF5;
	p2 =	por !p2, p0  }
0x20: {  	[sflag:s8] =	ssyncset.s32 @!p0 $0xFFFFF086;
	s6 =	sadd.s32 @!p0 s3, s7;
	s7 =	simm.s32 @!p0 $0x108  }
0x21: {  	s3 =	sadd.s32 s3, s9;
	s6 =	sadd.s32 @!p0 $0x88, s6;
	s7 =	simm.s32 @p2 $0x1082  }
0x22: {  	[simem:s7], [sflag:s8] =	dma.local @!p0 [hbm:s6], $0xF7A  }
0x23: {  	s9 =	sor.u32 $0xD0000000, s2;
	s6 =	simm.s32 $0x108;
	_ =	swait.ge @!p0 [sflag:s8], $0x0  }
0x24: {  	s3 =	sadd.s32 $0x88, s3;
	s6 =	simm.s32 @!p1 $0x1082;
	[sflag:s4] =	ssyncset.s32 $0xFFFFF086  }
0x25: {  	[simem:s6], [sflag:s4] =	dma.local [hbm:s3], $0xF7A  }
0x26: {  	[smem:$0x3F9D] =	sst s1;
	(tag) =	ssettag s2;
	_ =	strace s9  }
0x27: {  	s1 =	sld [smem:$0x3FAD]  }
0x28: {  	s2 =	sld [smem:$0x3FAE]  }
0x29: {  	s4 =	sld [smem:$0x3FB0]  }
0x2a: {  	p0 =	seq.s32 s5, $0x0;
	s5 =	sld [smem:$0x3FB1]  }
0x2b: {  	s6 =	sld [smem:$0x3FB2]  }
0x2c: {  	s7 =	sld [smem:$0x3FB3]  }
0x2d: {  	s3 =	simm.s32 $0x108;
	s8 =	sld [smem:$0x3FB4]  }
0x2e: {  	s3 =	simm.s32 @!p0 $0x1082;
	s9 =	sld [smem:$0x3FB5]  }
0x2f: {  	lr =	sadd.s32 s0, s3;
	s0 =	sld [smem:$0x3FAC]  }
0x30: {  	s3 =	sld [smem:$0x3FAF]  }
0x31: {  	[smem:$0x3FB8] =	sst s10  }
0x32: {  	s10 =	sld [smem:$0x3FB6];
	_ =	sdelay $0x3  }
0x33: {  	p0 =	seq.s32 s10, $0x1;
	s10 =	sld [smem:$0x3FB8];
	_ =	sdelay $0x3  }
0x34: {  	[smem:$0x3FB8] =	sst s10  }
0x35: {  	s10 =	sld [smem:$0x3FB7];
	_ =	sdelay $0x3  }
0x36: {  	p1 =	seq.s32 s10, $0x1;
	s10 =	sld [smem:$0x3FB8];
	_ =	sdelay $0x3  }
0x37: {  	[smem:$0x3FB8] =	sst s10  }
0x38: {  	s10 =	sld [smem:$0x3FB9]  }
0x39: {  	_ = 	snop;
	(pc) =	sbr.ind lr, $3  }
0x3a: {  	_ = 	snop  }
0x3b: {  	_ = 	snop  }
0x3c: {  	p2 =	seq.s32 s10, $0x1;
	s10 =	sld [smem:$0x3FB8]  }
0x3d: {  	_ =	shalt  }
0x3e: {  	_ =	shalt  }
0x3f: {  	_ =	shalt  }
0x40: {  	_ =	shalt  }
0x41: {  	_ =	shalt  }
0x42: {  	_ =	shalt  }
0x43: {  	_ =	shalt  }
0x44: {  	_ =	shalt  }
0x45: {  	_ =	shalt  }
0x46: {  	_ =	shalt  }
0x47: {  	_ =	shalt  }
0x48: {  	_ =	shalt  }
0x49: {  	_ =	shalt  }
0x4a: {  	_ =	shalt  }
0x4b: {  	_ =	shalt  }
0x4c: {  	_ =	shalt  }
0x4d: {  	_ =	shalt  }
0x4e: {  	_ =	shalt  }
0x4f: {  	_ =	shalt  }
0x50: {  	_ =	shalt  }
0x51: {  	_ =	shalt  }
0x52: {  	_ =	shalt  }
0x53: {  	_ =	shalt  }
0x54: {  	_ =	shalt  }
0x55: {  	_ =	shalt  }
0x56: {  	_ =	shalt  }
0x57: {  	_ =	shalt  }
0x58: {  	_ =	shalt  }
0x59: {  	_ =	shalt  }
0x5a: {  	_ =	shalt  }
0x5b: {  	_ =	shalt  }
0x5c: {  	_ =	shalt  }
0x5d: {  	_ =	shalt  }
0x5e: {  	_ =	shalt  }
0x5f: {  	_ =	shalt  }
0x60: {  	_ =	shalt  }
0x61: {  	_ =	shalt  }
0x62: {  	_ =	shalt  }
0x63: {  	_ =	shalt  }
0x64: {  	_ =	shalt  }
0x65: {  	_ =	shalt  }
0x66: {  	_ =	shalt  }
0x67: {  	_ =	shalt  }
0x68: {  	_ =	shalt  }
0x69: {  	_ =	shalt  }
0x6a: {  	_ =	shalt  }
0x6b: {  	_ =	shalt  }
0x6c: {  	_ =	shalt  }
0x6d: {  	_ =	shalt  }
0x6e: {  	_ =	shalt  }
0x6f: {  	_ =	shalt  }
0x70: {  	_ =	shalt  }
0x71: {  	_ =	shalt  }
0x72: {  	_ =	shalt  }
0x73: {  	_ =	shalt  }
0x74: {  	_ =	shalt  }
0x75: {  	_ =	shalt  }
0x76: {  	_ =	shalt  }
0x77: {  	_ =	shalt  }
0x78: {  	_ =	shalt  }
0x79: {  	_ =	shalt  }
0x7a: {  	_ =	shalt  }
0x7b: {  	_ =	shalt  }
0x7c: {  	_ =	shalt  }
0x7d: {  	_ =	shalt  }
0x7e: {  	_ =	shalt  }
0x7f: {  	_ =	shalt  }
0x80: {  	_ =	shalt  }
0x81: {  	_ =	shalt  }
0x82: {  	_ =	shalt  }
0x83: {  	_ =	shalt  }
0x84: {  	_ =	shalt  }
0x85: {  	_ =	shalt  }
0x86: {  	_ =	shalt  }
0x87: {  	_ =	shalt  }
.Lfunc_end0:
.L_simem_size_0:
called_computation_lowered:
.L_overlay_start_0:
0x88: {  	s2 =	sld [smem:$0x3FD9]  }
0x89: {  	s3 =	sld [smem:$0x3FFE];
	_ =	sdelay $0x1  }
0x8a: {  	s1 =	srdreg.scid  }
0x8b: {  	s0 =	sand.u32 $0x1, s1  }
0x8c: {  	s17 =	sshll.u32 s0, $0xA;
	s2 =	sadd.s32 s3, s2  }
0x8d: {  	s2 =	sadd.s32 s2, s17  }
0x8e: {  	[smem:$0x3FC4] =	sst s2  }
0x8f: {  	_ = 	snop  }
0x90: {  	s2 =	sld [smem:$0x3FD0];
	(tm) =	ssettm $0x1  }
0x91: {  	s18 =	sld [smem:$0x3FFB];
	_ =	sdelay $0x3  }
0x92: {  	_ =	strace s18  }
0x93: {  	s3 =	sld [smem:$0x3FFC];
	_ =	sdelay $0x3  }
0x94: {  	_ =	strace s3  }
0x95: {  	s3 =	sld [smem:$0x3FFD];
	_ =	sdelay $0x3  }
0x96: {  	_ =	strace s3  }
0x97: {  	_ =	strace $0x8FFFFFFF  }
0x98: {  	s19 =	sld [smem:$0x3FDB];
	_ =	sdelay $0x1  }
0x99: {  	s4 =	simm.s32 $_scs_section_size  }
0x9a: {  	s5 =	simm.s32 $_size__tile_overlayer_lowered;
	s6 =	simm.s32 $_tile_overlayer_lowered  }
0x9b: {  	s22 =	simm.s32 $0x1BFF;
	s21 =	sshll.u32 s6, $0x1;
	s3 =	sadd.s32 s4, s19  }
0x9c: {  	s7 =	simm.s32 $0x0;
	s20 =	sshll.u32 s5, $0x1;
	s5 =	sadd.s32 s21, s3  }
0x9d: {  	[timem:s7], [sflag:s22] =	dma.local [hbm:s5], s20  }
0x9e: {  	_ =	swait.ge [sflag:s22], s20  }
0x9f: {  	s4 =	ssub.s32 $0x0, s20;
	[sflag:s22] =	ssyncset.done $0x0  }
0xa0: {  	[sflag:s22] =	ssyncadd.s32 s4;
	_ =	sdelay $0x1  }
0xa1: {  	s23 =	simm.s32 $0x1B8B  }
0xa2: {  	_ =	swait.ge [sflag:s23], $0x1  }
0xa3: {  	[sflag:s23] =	ssyncset.done $0x0  }
0xa4: {  	s25 =	simm.s32 $0x1B8E;
	s24 =	sld [smem:$0x3FFE];
	[sflag:s23] =	ssyncadd.s32 $0xFFFFFFFF  }
0xa5: {  	s26 =	simm.s32 $execute0_lowered;
	[smem:$0x3FD2] =	sst s25  }
0xa6: {  	s5 =	sshll.u32 s26, $0x1;
	_ =	strace $0x80000046;
	[dreg:$0x1] =	wrdreg $0xFFFFFFFF  }
0xa7: {  	s28 =	simm.s32 $_size_execute0_lowered;
	s3 =	sadd.s32 s3, s5;
	[dreg:$0x0] =	wrdreg $0x0  }
0xa8: {  	s5 =	sshll.u32 s28, $0x1;
	[dreg:$0x2] =	wrdreg s3  }
0xa9: {  	[dreg:$0x3] =	wrdreg s5  }
0xaa: {  	[dreg:$0x4] =	wrdreg $0xC0  }
0xab: {  	_ =	task [dreg:s7], $0x5FFFF  }
0xac: {  	[dreg:$0x1] =	wrdreg $0xFFFFFFFF  }
0xad: {  	[dreg:$0x0] =	wrdreg $0x60  }
0xae: {  	[dreg:$0x2] =	wrdreg s2  }
0xaf: {  	[dreg:$0x3] =	wrdreg s24  }
0xb0: {  	[dreg:$0x4] =	wrdreg $0x9  }
0xb1: {  	_ =	task.clear_ibuf [dreg:s7], $0x5FFFF;
	_ =	strace $0x90000046  }
0xb2: {  	s29 =	simm.s32 $0x9;
	_ =	strace $0x80000048  }
0xb3: {  	_ =	swait.ge [sflag:s29], $0x1  }
0xb4: {  	[sflag:s29] =	ssyncadd.s32 $0xFFFFFFFF  }
0xb5: {  	_ =	strace $0x90000048  }
0xb6: {  	_ =	sfence  }
0xb7: {  	s30 =	sld [smem:$0x0];
	_ =	sdelay $0x2  }
0xb8: {  	s31 =	sshll.u32 s1, $0xD;
	s1 =	sshrl.u32 s1, $0x2  }
0xb9: {  	s3 =	sand.u32 $0x4000, s31;
	s1 =	sadd.s32 s1, s30  }
0xba: {  	s0 =	sor.u32 s3, s0;
	s1 =	sshll.u32 s1, $0x11  }
0xbb: {  	s0 =	sor.u32 s1, s0  }
0xbc: {  	s0 =	sadd.s32 $0x8F2B, s0  }
0xbd: {  	[sflag:s0] =	ssyncadd.remote.s32 $0x1  }
0xbe: {  	_ =	sfence.sel $0xFFFF  }
0xbf: {  	[dreg:$0x0] =	wrdreg $0xFFFFFFFF;
	(pc) =	sbr.abs _section_cstart, $3  }
0xc0: {  	[dreg:$0x1] =	wrdreg $0xFFFFFFFF  }
0xc1: {  	_ =	task.clear_ibuf [dreg:s7], $0x2FFFF;
	_ =	strace $0x9FFFFFFF  }
0xc2: {  	(tm) =	ssettm $0x7FFFFFFF  }
0xc3: {  	_ =	shalt  }
tec
execute0_lowered:
.L_overlay_start_1:
0x0: {  	(tag) =	ssettag $0x1  }
0x1: {  	s1 =	stileid.u32  }
0x2: {  	p0 =	sgt.u32 s1, $0x3  }
.Ltmp0:
0x3: {  	_ = 	snop;
	(pc) =	sbr.rel @p0 .LBB2_4-.Ltmp0, $4  }
0x4: {  	s13 =	rddreg [dreg:$0x0]  }
0x5: {  	s15 =	rddreg [dreg:$0x1];
	s2 =	simm.s32 $0x0  }
0x6: {  	[smem:$0x7FF] =	sst s2  }
0x7: {  	s0 =	rddreg [dreg:$0x2];
	_ =	strace $0x80000047  }
0x8: {  	s0 =	srdreg.scid  }
0x9: {  	s0 =	sand.u32 $0x1, s0  }
0xa: {  	s3 =	sshll.u32 s1, $0x2;
	s4 =	sshll.u32 s0, $0x1  }
0xb: {  	s16 =	sor.u32 s4, s3  }
0xc: {  	s17 =	sor.u32 $0x10, s16  }
0xd: {  	s19 =	sor.u32 $0x20, s16;
	s4 =	sadd.s32 s13, s16;
	s23 =	sadd.s32 s13, s17  }
0xe: {  	[tilespmem:s2], [sflag:$0x1] =	stream.linear.gather [hbm4b:s4+s2], $0x10, $0x38;
	[tilespmem:$0x800] =	vst v63  }
0xf: {  	s21 =	sor.u32 $0x30, s16;
	s24 =	sadd.s32 s13, s19;
	[dreg:$0x3] =	wrdreg s23  }
0x10: {  	s25 =	sadd.s32 s13, s21;
	[dreg:$0x4] =	wrdreg s24;
	s23 =	sor.u32 $0x40, s16  }
0x11: {  	[dreg:$0x5] =	wrdreg s25;
	s26 =	sadd.s32 s13, s23  }
0x12: {  	s3 =	simm.s32 $0x1;
	[dreg:$0x6] =	wrdreg s26  }
0x13: {  	_ =	swait.ge [sflag:s3], $0x10  }
0x14: {  	[sflag:s3] =	ssyncset.done $0x0  }
0x15: {  	s5 =	simm.s32 $0x80;
	s6 =	rddreg [dreg:$0x3];
	[sflag:s3] =	ssyncadd.s32 $0xFFFFFFF0  }
0x16: {  	[tilespmem:s5], [sflag:$0x1] =	stream.linear.gather [hbm4b:s6+s2], $0x10, $0x38;
	[tilespmem:$0x800] =	vst v63  }
0x17: {  	_ =	swait.ge [sflag:s3], $0x10  }
0x18: {  	[sflag:s3] =	ssyncset.done $0x0  }
0x19: {  	s6 =	simm.s32 $0x100;
	s7 =	rddreg [dreg:$0x4];
	[sflag:s3] =	ssyncadd.s32 $0xFFFFFFF0  }
0x1a: {  	[tilespmem:s6], [sflag:$0x1] =	stream.linear.gather [hbm4b:s7+s2], $0x10, $0x38;
	[tilespmem:$0x800] =	vst v63  }
0x1b: {  	_ =	swait.ge [sflag:s3], $0x10  }
0x1c: {  	[sflag:s3] =	ssyncset.done $0x0  }
0x1d: {  	s7 =	simm.s32 $0x180;
	s8 =	rddreg [dreg:$0x5];
	[sflag:s3] =	ssyncadd.s32 $0xFFFFFFF0  }
0x1e: {  	[tilespmem:s7], [sflag:$0x1] =	stream.linear.gather [hbm4b:s8+s2], $0x10, $0x38;
	[tilespmem:$0x800] =	vst v63  }
0x1f: {  	_ =	swait.ge [sflag:s3], $0x10  }
0x20: {  	[sflag:s3] =	ssyncset.done $0x0  }
0x21: {  	s8 =	simm.s32 $0x200;
	s9 =	rddreg [dreg:$0x6];
	[sflag:s3] =	ssyncadd.s32 $0xFFFFFFF0  }
0x22: {  	[tilespmem:s8], [sflag:$0x1] =	stream.linear.gather [hbm4b:s9+s2], $0x10, $0x38;
	[tilespmem:$0x800] =	vst v63  }
0x23: {  	_ =	swait.ge [sflag:s3], $0x10  }
0x24: {  	s25 =	sor.u32 $0x50, s16;
	[sflag:s3] =	ssyncset.done $0x0  }
0x25: {  	s10 =	simm.s32 $0x280;
	s9 =	sadd.s32 s13, s25;
	[sflag:s3] =	ssyncadd.s32 $0xFFFFFFF0  }
0x26: {  	[tilespmem:s10], [sflag:$0x1] =	stream.linear.gather [hbm4b:s9+s2], $0x10, $0x38;
	[tilespmem:$0x800] =	vst v63  }
0x27: {  	_ =	swait.ge [sflag:s3], $0x10  }
0x28: {  	s26 =	sor.u32 $0x60, s16;
	[sflag:s3] =	ssyncset.done $0x0  }
0x29: {  	s12 =	simm.s32 $0x300;
	s11 =	sadd.s32 s13, s26;
	[sflag:s3] =	ssyncadd.s32 $0xFFFFFFF0  }
0x2a: {  	[tilespmem:s12], [sflag:$0x1] =	stream.linear.gather [hbm4b:s11+s2], $0x10, $0x38;
	[tilespmem:$0x800] =	vst v63  }
0x2b: {  	_ =	swait.ge [sflag:s3], $0x10  }
0x2c: {  	s28 =	sadd.s32 $0x70, s16;
	[sflag:s3] =	ssyncset.done $0x0  }
0x2d: {  	s14 =	simm.s32 $0x380;
	s13 =	sadd.s32 s13, s28;
	[sflag:s3] =	ssyncadd.s32 $0xFFFFFFF0  }
0x2e: {  	[tilespmem:s14], [sflag:$0x1] =	stream.linear.gather [hbm4b:s13+s2], $0x10, $0x38;
	[tilespmem:$0x800] =	vst v63  }
0x2f: {  	_ =	swait.ge [sflag:s3], $0x10  }
0x30: {  	[sflag:s3] =	ssyncset.done $0x0  }
0x31: {  	[sflag:s3] =	ssyncadd.s32 $0xFFFFFFF0  }
0x32: {  	v0 =	vld [tilespmem:$0x80]  }
0x33: {  	v1 =	vld [tilespmem:$0x0];
	_ =	sdelay $0x2  }
0x34: {  	v2 =	vld [tilespmem:$0x100]  }
0x35: {  	vm0 =	vlt.f32 v0, $-Inf;
	vm2 =	vgt.f32 v0, $-Inf  }
0x36: {  	vm1 =	vgt.f32 v0, v1;
	vm2 =	vmor vm2, vm0  }
0x37: {  	v4 =	vld [tilespmem:$0x180];
	vm3 =	vmneg vm1;
	v3 =	vnsel vm2, $0xFF800000, v0  }
0x38: {  	v3 =	vsel vm3, v3, v1  }
0x39: {  	v0 =	vsel vm3, v1, v0;
	vm5 =	vgt.f32 v2, v3  }
0x3a: {  	vm4 =	vgt.f32 v2, v0;
	v1 =	vsel vm5, v2, v3;
	v3 =	vld [tilespmem:$0x200]  }
0x3b: {  	v1 =	vsel vm4, v0, v1  }
0x3c: {  	v0 =	vsel vm4, v2, v0;
	vm8 =	vgt.f32 v4, v1  }
0x3d: {  	v2 =	vld [tilespmem:$0x280];
	vm6 =	vgt.f32 v4, v0;
	v1 =	vsel vm8, v4, v1  }
0x3e: {  	v1 =	vsel vm6, v0, v1  }
0x3f: {  	v0 =	vsel vm6, v4, v0;
	vm9 =	vgt.f32 v3, v1  }
0x40: {  	v51 =	vld [tilespmem:$0x300];
	vm7 =	vgt.f32 v3, v0;
	v1 =	vsel vm9, v3, v1  }
0x41: {  	v1 =	vsel vm7, v0, v1  }
0x42: {  	v0 =	vsel vm7, v3, v0;
	vm12 =	vgt.f32 v2, v1  }
0x43: {  	v3 =	vld [tilespmem:$0x380];
	vm11 =	vgt.f32 v2, v0;
	v1 =	vsel vm12, v2, v1  }
0x44: {  	v1 =	vsel vm11, v0, v1  }
0x45: {  	v0 =	vsel vm11, v2, v0;
	vm13 =	vgt.f32 v51, v1  }
0x46: {  	vm10 =	vgt.f32 v51, v0;
	v1 =	vsel vm13, v51, v1  }
0x47: {  	v1 =	vsel vm10, v0, v1;
	v0 =	vsel vm10, v51, v0  }
0x48: {  	vm0 =	vgt.f32 v3, v0;
	vm14 =	vgt.f32 v3, v1  }
0x49: {  	vm0 =	vmneg vm0;
	v1 =	vsel vm14, v3, v1  }
0x4a: {  	v1 =	vsel vm0, v1, v0;
	v0 =	vsel vm0, v0, v3  }
0x4b: {  	v0 =	vsub.f32 v1, v0;
	_ =	sdelay $0x1  }
0x4c: {  	v0 =	vmul.f32 $1.442695020e+00, v0;
	_ =	sdelay $0x1  }
0x4d: {  	(erf) = vpow2.f32 v0;
	_ =	sdelay $0x4  }
0x4e: {  	vm2 =	vmand vm3, vm2;
	v0 =	vimm.s32 $0x0  }
0x4f: {  	v1 =	vsel vm2, $0x1, v0  }
0x50: {  	v2 =	vsel vm1, $0x1, v0;
	v1 =	vsel vm5, $0x2, v1  }
0x51: {  	v1 =	vsel vm4, v2, v1  }
0x52: {  	v2 =	vsel vm4, $0x2, v2;
	v1 =	vsel vm8, $0x3, v1;
	v3 =	vpop (erf)  }
0x53: {  	v1 =	vsel vm6, v2, v1;
	v3 =	vadd.f32 $1.000000000e+00, v3  }
0x54: {  	v2 =	vsel vm6, $0x3, v2;
	v1 =	vsel vm9, $0x4, v1  }
0x55: {  	v1 =	vsel vm7, v2, v1;
	(erf) = vrcp.f32 v3  }
0x56: {  	v2 =	vsel vm7, $0x4, v2;
	v1 =	vsel vm12, $0x5, v1  }
0x57: {  	v1 =	vsel vm11, v2, v1  }
0x58: {  	v2 =	vsel vm11, $0x5, v2;
	v1 =	vsel vm13, $0x6, v1  }
0x59: {  	v1 =	vsel vm10, v2, v1;
	v2 =	vsel vm10, $0x6, v2  }
0x5a: {  	v1 =	vsel vm14, $0x7, v1;
	v3 =	vnsel vm0, $0x7, v2  }
0x5b: {  	vm5 =	vmand vm10, vm0;
	v1 =	vsel vm0, v1, v2;
	vm7 =	veq.s32 v3, $0x5  }
0x5c: {  	vm2 =	veq.s32 v3, $0x2;
	vm12 =	veq.s32 v3, $0x3;
	vm13 =	veq.s32 v3, $0x0  }
0x5d: {  	vm6 =	veq.s32 v1, $0x6;
	vm3 =	veq.s32 v1, $0x7;
	vm1 =	veq.s32 v1, $0x2  }
0x5e: {  	vm4 =	veq.s32 v1, $0x4;
	vm8 =	veq.s32 v1, $0x3;
	vm9 =	veq.s32 v1, $0x5;
	v2 =	vpop (erf)  }
0x5f: {  	vm10 =	veq.s32 v1, $0x0;
	vm11 =	veq.s32 v1, $0x1;
	v1 =	vsub.f32 $1.000000000e+00, v2  }
0x60: {  	vm14 =	veq.s32 v3, $0x1;
	vm15 =	veq.s32 v3, $0x4;
	v3 =	vnsel vm13, $0x0, v2  }
0x61: {  	v5 =	vnsel vm12, $0x0, v2;
	v6 =	vnsel vm14, $0x0, v2;
	v52 =	vnsel vm10, $0x0, v1  }
0x62: {  	v54 =	vnsel vm7, $0x0, v2;
	v53 =	vnsel vm8, $0x0, v1;
	v3 =	vadd.f32 v52, v3  }
0x63: {  	v55 =	vnsel vm5, $0x0, v2;
	v8 =	vnsel vm9, $0x0, v1;
	v4 =	vadd.f32 v53, v5  }
0x64: {  	v58 =	vsel vm0, $0x0, v2;
	v59 =	vnsel vm3, $0x0, v1;
	v56 =	vadd.f32 v8, v54;
	[tilespmem:$0x400] =	vst v3  }
0x65: {  	v60 =	vnsel vm15, $0x0, v2;
	v61 =	vnsel vm4, $0x0, v1;
	v62 =	vadd.f32 v59, v58;
	[tilespmem:$0x580] =	vst v4  }
0x66: {  	v2 =	vnsel vm2, $0x0, v2;
	v7 =	vnsel vm11, $0x0, v1;
	v63 =	vadd.f32 v61, v60;
	[tilespmem:$0x680] =	vst v56  }
0x67: {  	v57 =	vnsel vm6, $0x0, v1;
	v1 =	vnsel vm1, $0x0, v1;
	v3 =	vadd.f32 v7, v6;
	[tilespmem:$0x780] =	vst v62  }
0x68: {  	v1 =	vadd.f32 v1, v2;
	[tilespmem:$0x600] =	vst v63  }
0x69: {  	[tilespmem:$0x480] =	vst v3;
	v3 =	vadd.f32 v57, v55  }
0x6a: {  	s30 =	sadd.s32 $0xA00, s15;
	[tilespmem:$0x500] =	vst v1  }
0x6b: {  	s15 =	sadd.s32 s30, s16;
	s16 =	simm.s32 $0x400;
	[tilespmem:$0x700] =	vst v3  }
0x6c: {  	[hbm4b:s15+s2] =	stream.linear.scatter [tilespmem:s16], [sflag:$0x1], $0x10, $0x38;
	[tilespmem:$0x800] =	vst v63  }
0x6d: {  	_ =	swait.ge [sflag:s3], $0x10  }
0x6e: {  	[sflag:s3] =	ssyncset.done $0x0  }
0x6f: {  	s18 =	simm.s32 $0x480;
	s17 =	sadd.s32 s30, s17;
	[sflag:s3] =	ssyncadd.s32 $0xFFFFFFF0  }
0x70: {  	[hbm4b:s17+s2] =	stream.linear.scatter [tilespmem:s18], [sflag:$0x1], $0x10, $0x38;
	[tilespmem:$0x800] =	vst v63  }
0x71: {  	_ =	swait.ge [sflag:s3], $0x10  }
0x72: {  	[sflag:s3] =	ssyncset.done $0x0  }
0x73: {  	s20 =	simm.s32 $0x500;
	s19 =	sadd.s32 s30, s19;
	[sflag:s3] =	ssyncadd.s32 $0xFFFFFFF0  }
0x74: {  	[hbm4b:s19+s2] =	stream.linear.scatter [tilespmem:s20], [sflag:$0x1], $0x10, $0x38;
	[tilespmem:$0x800] =	vst v63  }
0x75: {  	_ =	swait.ge [sflag:s3], $0x10  }
0x76: {  	s22 =	simm.s32 $0x580;
	[sflag:s3] =	ssyncset.done $0x0  }
0x77: {  	s0 =	ssub.s32 $0x2, s0;
	s21 =	sadd.s32 s30, s21;
	[sflag:s3] =	ssyncadd.s32 $0xFFFFFFF0  }
0x78: {  	[hbm4b:s21+s2] =	stream.linear.scatter [tilespmem:s22], [sflag:$0x1], $0x10, $0x38;
	[tilespmem:$0x800] =	vst v63  }
0x79: {  	s29 =	sshrl.u32 s0, $0x1;
	_ =	swait.ge [sflag:s3], $0x10  }
0x7a: {  	s0 =	ssub.s32 s0, s29;
	[sflag:s3] =	ssyncset.done $0x0  }
0x7b: {  	s24 =	simm.s32 $0x600;
	s23 =	sadd.s32 s30, s23;
	[sflag:s3] =	ssyncadd.s32 $0xFFFFFFF0  }
0x7c: {  	[hbm4b:s23+s2] =	stream.linear.scatter [tilespmem:s24], [sflag:$0x1], $0x10, $0x38;
	[tilespmem:$0x800] =	vst v63  }
0x7d: {  	s0 =	smax.u32 s0, $0x1;
	_ =	swait.ge [sflag:s3], $0x10  }
0x7e: {  	s29 =	simm.s32 $0x680;
	p0 =	sne.s32 s0, $0x1;
	[sflag:s3] =	ssyncset.done $0x0  }
.Ltmp1:
0x7f: {  	s25 =	sadd.s32 s30, s25;
	[sflag:s3] =	ssyncadd.s32 $0xFFFFFFF0;
	(pc) =	sbr.rel @!p0 .LBB2_3-.Ltmp1, $4  }
0x80: {  	[hbm4b:s25+s2] =	stream.linear.scatter [tilespmem:s29], [sflag:$0x1], $0x10, $0x38;
	[tilespmem:$0x800] =	vst v63  }
0x81: {  	s31 =	sadd.s32 $0xFFFFFFFF, s0;
	_ =	swait.ge [sflag:s3], $0x10  }
0x82: {  	s0 =	simm.s32 $0x700;
	s26 =	sadd.s32 s30, s26;
	[sflag:s3] =	ssyncset.done $0x0  }
0x83: {  	s28 =	sadd.s32 s30, s28;
	s30 =	simm.s32 $0x780;
	[sflag:s3] =	ssyncadd.s32 $0xFFFFFFF0  }
.LBB2_2:
0x84: {  	[hbm4b:s26+s2] =	stream.linear.scatter [tilespmem:s0], [sflag:$0x1], $0x10, $0x38;
	[tilespmem:$0x800] =	vst v63  }
0x85: {  	_ =	swait.ge [sflag:s3], $0x10  }
0x86: {  	[sflag:s3] =	ssyncset.done $0x0  }
0x87: {  	[sflag:s3] =	ssyncadd.s32 $0xFFFFFFF0  }
0x88: {  	[hbm4b:s28+s2] =	stream.linear.scatter [tilespmem:s30], [sflag:$0x1], $0x10, $0x38;
	[tilespmem:$0x800] =	vst v63  }
0x89: {  	_ =	swait.ge [sflag:s3], $0x10  }
0x8a: {  	[sflag:s3] =	ssyncset.done $0x0  }
0x8b: {  	[sflag:s3] =	ssyncadd.s32 $0xFFFFFFF0  }
0x8c: {  	[tilespmem:s2], [sflag:$0x1] =	stream.linear.gather [hbm4b:s4+s2], $0x10, $0x38;
	[tilespmem:$0x800] =	vst v63  }
0x8d: {  	_ =	swait.ge [sflag:s3], $0x10  }
0x8e: {  	[sflag:s3] =	ssyncset.done $0x0  }
0x8f: {  	s1 =	rddreg [dreg:$0x3];
	[sflag:s3] =	ssyncadd.s32 $0xFFFFFFF0  }
0x90: {  	[tilespmem:s5], [sflag:$0x1] =	stream.linear.gather [hbm4b:s1+s2], $0x10, $0x38;
	[tilespmem:$0x800] =	vst v63  }
0x91: {  	_ =	swait.ge [sflag:s3], $0x10  }
0x92: {  	[sflag:s3] =	ssyncset.done $0x0  }
0x93: {  	s1 =	rddreg [dreg:$0x4];
	[sflag:s3] =	ssyncadd.s32 $0xFFFFFFF0  }
0x94: {  	[tilespmem:s6], [sflag:$0x1] =	stream.linear.gather [hbm4b:s1+s2], $0x10, $0x38;
	[tilespmem:$0x800] =	vst v63  }
0x95: {  	_ =	swait.ge [sflag:s3], $0x10  }
0x96: {  	[sflag:s3] =	ssyncset.done $0x0  }
0x97: {  	s1 =	rddreg [dreg:$0x5];
	[sflag:s3] =	ssyncadd.s32 $0xFFFFFFF0  }
0x98: {  	[tilespmem:s7], [sflag:$0x1] =	stream.linear.gather [hbm4b:s1+s2], $0x10, $0x38;
	[tilespmem:$0x800] =	vst v63  }
0x99: {  	_ =	swait.ge [sflag:s3], $0x10  }
0x9a: {  	[sflag:s3] =	ssyncset.done $0x0  }
0x9b: {  	s1 =	rddreg [dreg:$0x6];
	[sflag:s3] =	ssyncadd.s32 $0xFFFFFFF0  }
0x9c: {  	[tilespmem:s8], [sflag:$0x1] =	stream.linear.gather [hbm4b:s1+s2], $0x10, $0x38;
	[tilespmem:$0x800] =	vst v63  }
0x9d: {  	_ =	swait.ge [sflag:s3], $0x10  }
0x9e: {  	[sflag:s3] =	ssyncset.done $0x0  }
0x9f: {  	[sflag:s3] =	ssyncadd.s32 $0xFFFFFFF0  }
0xa0: {  	[tilespmem:s10], [sflag:$0x1] =	stream.linear.gather [hbm4b:s9+s2], $0x10, $0x38;
	[tilespmem:$0x800] =	vst v63  }
0xa1: {  	_ =	swait.ge [sflag:s3], $0x10  }
0xa2: {  	[sflag:s3] =	ssyncset.done $0x0  }
0xa3: {  	[sflag:s3] =	ssyncadd.s32 $0xFFFFFFF0  }
0xa4: {  	[tilespmem:s12], [sflag:$0x1] =	stream.linear.gather [hbm4b:s11+s2], $0x10, $0x38;
	[tilespmem:$0x800] =	vst v63  }
0xa5: {  	_ =	swait.ge [sflag:s3], $0x10  }
0xa6: {  	[sflag:s3] =	ssyncset.done $0x0  }
0xa7: {  	[sflag:s3] =	ssyncadd.s32 $0xFFFFFFF0  }
0xa8: {  	[tilespmem:s14], [sflag:$0x1] =	stream.linear.gather [hbm4b:s13+s2], $0x10, $0x38;
	[tilespmem:$0x800] =	vst v63  }
0xa9: {  	_ =	swait.ge [sflag:s3], $0x10  }
0xaa: {  	[sflag:s3] =	ssyncset.done $0x0  }
0xab: {  	[sflag:s3] =	ssyncadd.s32 $0xFFFFFFF0  }
0xac: {  	v1 =	vld [tilespmem:$0x80]  }
0xad: {  	v2 =	vld [tilespmem:$0x0];
	_ =	sdelay $0x2  }
0xae: {  	v3 =	vld [tilespmem:$0x100]  }
0xaf: {  	vm0 =	vlt.f32 v1, $-Inf;
	vm1 =	vgt.f32 v1, $-Inf  }
0xb0: {  	vm2 =	vgt.f32 v1, v2;
	vm0 =	vmor vm1, vm0  }
0xb1: {  	v6 =	vld [tilespmem:$0x180];
	vm4 =	vmneg vm2;
	v4 =	vnsel vm0, $0xFF800000, v1  }
0xb2: {  	v4 =	vsel vm4, v4, v2  }
0xb3: {  	v1 =	vsel vm4, v2, v1;
	vm5 =	vgt.f32 v3, v4  }
0xb4: {  	v7 =	vld [tilespmem:$0x200];
	vm1 =	vgt.f32 v3, v1;
	v4 =	vsel vm5, v3, v4  }
0xb5: {  	v5 =	vsel vm2, $0x1, v0;
	vm0 =	vmand vm4, vm0;
	v4 =	vsel vm1, v1, v4  }
0xb6: {  	v2 =	vsel vm0, $0x1, v0;
	v1 =	vsel vm1, v3, v1;
	vm6 =	vgt.f32 v6, v4  }
0xb7: {  	v48 =	vld [tilespmem:$0x280];
	v2 =	vsel vm5, $0x2, v2;
	vm7 =	vgt.f32 v6, v1;
	v4 =	vsel vm6, v6, v4  }
0xb8: {  	v2 =	vsel vm1, v5, v2;
	v4 =	vsel vm7, v1, v4  }
0xb9: {  	v3 =	vsel vm1, $0x2, v5;
	v1 =	vsel vm7, v6, v1;
	vm8 =	vgt.f32 v7, v4  }
0xba: {  	v49 =	vld [tilespmem:$0x300];
	v2 =	vsel vm6, $0x3, v2;
	vm9 =	vgt.f32 v7, v1;
	v4 =	vsel vm8, v7, v4  }
0xbb: {  	v2 =	vsel vm7, v3, v2;
	v3 =	vsel vm7, $0x3, v3;
	v4 =	vsel vm9, v1, v4  }
0xbc: {  	v2 =	vsel vm8, $0x4, v2;
	v1 =	vsel vm9, v7, v1;
	vm10 =	vgt.f32 v48, v4  }
0xbd: {  	v50 =	vld [tilespmem:$0x380];
	v2 =	vsel vm9, v3, v2;
	vm11 =	vgt.f32 v48, v1;
	v4 =	vsel vm10, v48, v4  }
0xbe: {  	v3 =	vsel vm9, $0x4, v3;
	v2 =	vsel vm10, $0x5, v2;
	v4 =	vsel vm11, v1, v4  }
0xbf: {  	v51 =	vsel vm11, $0x5, v3;
	v1 =	vsel vm11, v48, v1;
	vm12 =	vgt.f32 v49, v4  }
0xc0: {  	v2 =	vsel vm11, v3, v2;
	vm13 =	vgt.f32 v49, v1;
	v3 =	vsel vm12, v49, v4  }
0xc1: {  	v3 =	vsel vm13, v1, v3;
	v1 =	vsel vm13, v49, v1  }
0xc2: {  	vm14 =	vgt.f32 v50, v1;
	vm15 =	vgt.f32 v50, v3  }
0xc3: {  	vm0 =	vmneg vm14;
	v3 =	vsel vm15, v50, v3  }
0xc4: {  	v3 =	vsel vm0, v3, v1;
	v1 =	vsel vm0, v1, v50  }
0xc5: {  	v1 =	vsub.f32 v3, v1;
	_ =	sdelay $0x1  }
0xc6: {  	v1 =	vmul.f32 $1.442695020e+00, v1;
	_ =	sdelay $0x1  }
0xc7: {  	(erf) = vpow2.f32 v1;
	_ =	sdelay $0x8  }
0xc8: {  	v1 =	vpop (erf)  }
0xc9: {  	v1 =	vadd.f32 $1.000000000e+00, v1;
	_ =	sdelay $0x1  }
0xca: {  	(erf) = vrcp.f32 v1;
	_ =	sdelay $0x1  }
0xcb: {  	v2 =	vsel vm12, $0x6, v2  }
0xcc: {  	v2 =	vsel vm13, v51, v2  }
0xcd: {  	v52 =	vsel vm13, $0x6, v51;
	v2 =	vsel vm15, $0x7, v2  }
0xce: {  	v5 =	vnsel vm0, $0x7, v52;
	v2 =	vsel vm0, v2, v52;
	vm2 =	vmand vm13, vm0  }
0xcf: {  	vm3 =	veq.s32 v2, $0x6;
	vm1 =	veq.s32 v2, $0x7;
	vm4 =	veq.s32 v2, $0x2  }
0xd0: {  	vm5 =	veq.s32 v2, $0x4;
	vm6 =	veq.s32 v5, $0x5;
	vm7 =	veq.s32 v5, $0x2  }
0xd1: {  	vm8 =	veq.s32 v2, $0x3;
	vm9 =	veq.s32 v2, $0x5;
	vm10 =	veq.s32 v2, $0x0  }
0xd2: {  	vm11 =	veq.s32 v2, $0x1;
	vm12 =	veq.s32 v5, $0x3;
	vm13 =	veq.s32 v5, $0x0;
	v1 =	vpop (erf)  }
0xd3: {  	vm14 =	veq.s32 v5, $0x1;
	vm15 =	veq.s32 v5, $0x4;
	v2 =	vsub.f32 $1.000000000e+00, v1  }
0xd4: {  	v3 =	vnsel vm2, $0x0, v1;
	v53 =	vsel vm0, $0x0, v1;
	v54 =	vnsel vm13, $0x0, v1  }
0xd5: {  	v55 =	vnsel vm14, $0x0, v1;
	v56 =	vnsel vm15, $0x0, v1;
	v8 =	vnsel vm10, $0x0, v2  }
0xd6: {  	v10 =	vnsel vm12, $0x0, v1;
	v11 =	vnsel vm8, $0x0, v2;
	v5 =	vadd.f32 v8, v54  }
0xd7: {  	v57 =	vnsel vm7, $0x0, v1;
	v9 =	vnsel vm11, $0x0, v2;
	v10 =	vadd.f32 v11, v10  }
0xd8: {  	v1 =	vnsel vm6, $0x0, v1;
	v58 =	vnsel vm9, $0x0, v2;
	v59 =	vadd.f32 v9, v55;
	[tilespmem:$0x400] =	vst v5  }
0xd9: {  	v62 =	vnsel vm3, $0x0, v2;
	v1 =	vadd.f32 v58, v1;
	[tilespmem:$0x580] =	vst v10  }
0xda: {  	v61 =	vnsel vm5, $0x0, v2;
	v3 =	vadd.f32 v62, v3;
	[tilespmem:$0x480] =	vst v59  }
0xdb: {  	v60 =	vnsel vm4, $0x0, v2;
	v63 =	vadd.f32 v61, v56;
	[tilespmem:$0x680] =	vst v1  }
0xdc: {  	v2 =	vnsel vm1, $0x0, v2;
	v6 =	vadd.f32 v60, v57;
	[tilespmem:$0x700] =	vst v3  }
0xdd: {  	v1 =	vadd.f32 v2, v53;
	[tilespmem:$0x600] =	vst v63  }
0xde: {  	[tilespmem:$0x500] =	vst v6  }
0xdf: {  	[tilespmem:$0x780] =	vst v1  }
0xe0: {  	[hbm4b:s15+s2] =	stream.linear.scatter [tilespmem:s16], [sflag:$0x1], $0x10, $0x38;
	[tilespmem:$0x800] =	vst v63  }
0xe1: {  	_ =	swait.ge [sflag:s3], $0x10  }
0xe2: {  	[sflag:s3] =	ssyncset.done $0x0  }
0xe3: {  	[sflag:s3] =	ssyncadd.s32 $0xFFFFFFF0  }
0xe4: {  	[hbm4b:s17+s2] =	stream.linear.scatter [tilespmem:s18], [sflag:$0x1], $0x10, $0x38;
	[tilespmem:$0x800] =	vst v63  }
0xe5: {  	_ =	swait.ge [sflag:s3], $0x10  }
0xe6: {  	[sflag:s3] =	ssyncset.done $0x0  }
0xe7: {  	[sflag:s3] =	ssyncadd.s32 $0xFFFFFFF0  }
0xe8: {  	[hbm4b:s19+s2] =	stream.linear.scatter [tilespmem:s20], [sflag:$0x1], $0x10, $0x38;
	[tilespmem:$0x800] =	vst v63  }
0xe9: {  	_ =	swait.ge [sflag:s3], $0x10  }
0xea: {  	[sflag:s3] =	ssyncset.done $0x0  }
0xeb: {  	[sflag:s3] =	ssyncadd.s32 $0xFFFFFFF0  }
0xec: {  	[hbm4b:s21+s2] =	stream.linear.scatter [tilespmem:s22], [sflag:$0x1], $0x10, $0x38;
	[tilespmem:$0x800] =	vst v63  }
0xed: {  	_ =	swait.ge [sflag:s3], $0x10  }
0xee: {  	[sflag:s3] =	ssyncset.done $0x0  }
0xef: {  	[sflag:s3] =	ssyncadd.s32 $0xFFFFFFF0  }
0xf0: {  	[hbm4b:s23+s2] =	stream.linear.scatter [tilespmem:s24], [sflag:$0x1], $0x10, $0x38;
	[tilespmem:$0x800] =	vst v63  }
0xf1: {  	_ =	swait.ge [sflag:s3], $0x10  }
0xf2: {  	p0 =	sne.s32 s31, $0x1;
	[sflag:s3] =	ssyncset.done $0x0  }
.Ltmp2:
0xf3: {  	[sflag:s3] =	ssyncadd.s32 $0xFFFFFFF0;
	(pc) =	sbr.rel @p0 .LBB2_2-.Ltmp2, $4  }
0xf4: {  	[hbm4b:s25+s2] =	stream.linear.scatter [tilespmem:s29], [sflag:$0x1], $0x10, $0x38;
	[tilespmem:$0x800] =	vst v63  }
0xf5: {  	_ =	swait.ge [sflag:s3], $0x10  }
0xf6: {  	[sflag:s3] =	ssyncset.done $0x0  }
0xf7: {  	s31 =	sadd.s32 $0xFFFFFFFF, s31;
	[sflag:s3] =	ssyncadd.s32 $0xFFFFFFF0  }
.LBB2_3:
0xf8: {  	[hbm4b:s26+s2] =	stream.linear.scatter [tilespmem:s0], [sflag:$0x1], $0x10, $0x38;
	[tilespmem:$0x800] =	vst v63  }
0xf9: {  	_ =	swait.ge [sflag:s3], $0x10  }
0xfa: {  	[sflag:s3] =	ssyncset.done $0x0  }
0xfb: {  	[sflag:s3] =	ssyncadd.s32 $0xFFFFFFF0  }
0xfc: {  	[hbm4b:s28+s2] =	stream.linear.scatter [tilespmem:s30], [sflag:$0x1], $0x10, $0x38;
	[tilespmem:$0x800] =	vst v63  }
0xfd: {  	_ =	swait.ge [sflag:s3], $0x10  }
0xfe: {  	[sflag:s3] =	ssyncset.done $0x0  }
0xff: {  	[sflag:s3] =	ssyncadd.s32 $0xFFFFFFF0  }
0x100: {  	s1 =	stileid.u32;
	s0 =	rddreg [dreg:$0x2]  }
.LBB2_4:
0x101: {  	_ =	sfence.sel $0x180000  }
0x102: {  	[bflag:$0x0] =	sbarrier.arrive $0xFFFF  }
0x103: {  	p0 =	sne.s32 s1, $0x0;
	_ =	strace $0x90000047  }
0x104: {  	s0 =	sadd.s32 @!p0 $0x100000, s0;
	[bflag:$0x2] =	sbarrier.arrive $0xFFFF  }
0x105: {  	[sflag:s0] =	ssyncadd.tile.s32 @!p0 $0x1;
	_ =	shalt  }
.Lfunc_end2:
_tile_overlayer_lowered:
.L_overlay_start_2:
0x106: {  	(tag) =	ssettag $0x2  }
0x107: {  	s0 =	rddreg [dreg:$0x0];
	s2 =	stileid.u32  }
0x108: {  	s1 =	rddreg [dreg:$0x1];
	p0 =	sne.s32 s2, $0x0  }
0x109: {  	s3 =	rddreg [dreg:$0x2];
	[bflag:$0x3] =	sbarrier.arrive $0xFFFF;
	s2 =	simm.s32 @!p0 $0x1C01  }
0x10a: {  	[timem:s3], [sflag:s2] =	dma.local @!p0 [hbm:s0], s1  }
0x10b: {  	s0 =	simm.s32 @!p0 $0x1  }
0x10c: {  	_ =	swait.ge @!p0 [sflag:s0], s1  }
0x10d: {  	s1 =	ssub.s32 @!p0 $0x0, s1;
	[sflag:s0] =	ssyncset.done @!p0 $0x0  }
0x10e: {  	[sflag:s0] =	ssyncadd.s32 @!p0 s1  }
0x10f: {  	[bflag:$0x3] =	sbarrier.arrive $0xFFFF  }
0x110: {  	_ =	shalt  }

</sc_bundles>
